<compile_context>
chip_gen: v7x
topology: tpu7x:2x2x1
jax: 0.10.2.dev20260603
libtpu: 0.0.44.dev20260713+nightly
codegen_flags: <defaults>
</compile_context>

<pallas_src>
import functools

import jax
import jax.numpy as jnp
from jax import lax
from jax.experimental import pallas as pl
from jax.experimental.pallas import tpu as pltpu
from jax.experimental.pallas import tpu_sc as plsc

F = 16
NC = 2
NS = 16
NW = NC * NS
CHUNK = 128

_mesh = plsc.VectorSubcoreMesh(core_axis_name="c", subcore_axis_name="s")
_sc_params = pltpu.CompilerParams(use_tc_tiling_on_sc=False)


def _gather_call(x, src_r, dst_r, zeros, ones, cpw, n_acc):
    rows_per_tile = n_acc // NS

    @functools.partial(
        pl.kernel,
        mesh=_mesh,
        out_type=(
            jax.ShapeDtypeStruct((NW, cpw, CHUNK, F), jnp.float32),
            jax.ShapeDtypeStruct((NC, n_acc, F), jnp.float32),
        ),
        compiler_params=_sc_params,
        scratch_types=[
            pltpu.VMEM((cpw, CHUNK), jnp.int32),
            pltpu.VMEM((cpw, CHUNK), jnp.int32),
            pltpu.VMEM((cpw, CHUNK, F), jnp.float32),
            pltpu.VMEM((CHUNK, F), jnp.float32),
            pltpu.VMEM_SHARED((n_acc, F), jnp.float32),
            pltpu.SemaphoreType.DMA,
            pltpu.SemaphoreType.DMA,
        ],
    )
    def gather_kernel(x_hbm, src_hbm, dst_hbm, zeros_hbm, ones_hbm,
                      h_hbm, cnt_out,
                      idx_v, dix_v, rows_v, ones_v, cnt_s, sem, csem):
        cid = lax.axis_index("c")
        sid = lax.axis_index("s")
        wid = sid * NC + cid
        r0 = sid * rows_per_tile
        rows = pl.ds(r0, rows_per_tile)
        pltpu.sync_copy(zeros_hbm.at[rows], cnt_s.at[rows])
        pltpu.sync_copy(src_hbm.at[wid], idx_v)
        pltpu.sync_copy(dst_hbm.at[wid], dix_v)
        pltpu.sync_copy(ones_hbm, ones_v)
        plsc.subcore_barrier()

        def fire(j, carry):
            pltpu.async_copy(x_hbm.at[idx_v.at[j]], rows_v.at[j], sem)
            pltpu.async_copy(ones_v, cnt_s.at[dix_v.at[j]], csem, add=True)
            return carry

        lax.fori_loop(0, cpw, fire, 0)

        def drain(j, carry):
            pltpu.make_async_copy(x_hbm.at[idx_v.at[j]], rows_v.at[j], sem).wait()
            pltpu.make_async_copy(ones_v, cnt_s.at[dix_v.at[j]], csem).wait()
            return carry

        lax.fori_loop(0, cpw, drain, 0)
        pltpu.sync_copy(rows_v, h_hbm.at[wid])
        plsc.subcore_barrier()
        pltpu.sync_copy(cnt_s.at[rows], cnt_out.at[cid, rows])

    return gather_kernel(x, src_r, dst_r, zeros, ones)


def _msg_call(ef_p, h, R, T, W2, B2, e_pad):
    TB = 2048
    grid = (e_pad // TB,)

    def body(ef_ref, h_ref, r_ref, t_ref, w2_ref, b2_ref, out_ref):
        h = h_ref[...]
        efr = jnp.dot(ef_ref[...], r_ref[...], preferred_element_type=jnp.float32)
        ht = jnp.dot(h, t_ref[...], preferred_element_type=jnp.float32)
        msg = jnp.dot(efr * ht, w2_ref[...], preferred_element_type=jnp.float32)
        msg = msg + jnp.dot(h, b2_ref[...], preferred_element_type=jnp.float32)
        out_ref[...] = msg

    return pl.pallas_call(
        body,
        grid=grid,
        in_specs=[
            pl.BlockSpec((TB, F), lambda i: (i, 0)),
            pl.BlockSpec((TB, F), lambda i: (i, 0)),
            pl.BlockSpec((F, F * F), lambda i: (0, 0)),
            pl.BlockSpec((F, F * F), lambda i: (0, 0)),
            pl.BlockSpec((F * F, F), lambda i: (0, 0)),
            pl.BlockSpec((F, F), lambda i: (0, 0)),
        ],
        out_specs=pl.BlockSpec((TB, F), lambda i: (i, 0)),
        out_shape=jax.ShapeDtypeStruct((e_pad, F), jnp.float32),
    )(ef_p, h, R, T, W2, B2)


def _scatter_call(msg_r, dst_r, zeros, cpw, n_acc):
    rows_per_tile = n_acc // NS

    @functools.partial(
        pl.kernel,
        mesh=_mesh,
        out_type=jax.ShapeDtypeStruct((NC, n_acc, F), jnp.float32),
        compiler_params=_sc_params,
        scratch_types=[
            pltpu.VMEM((cpw, CHUNK), jnp.int32),
            pltpu.VMEM((cpw, CHUNK, F), jnp.float32),
            pltpu.VMEM_SHARED((n_acc, F), jnp.float32),
            pltpu.SemaphoreType.DMA,
        ],
    )
    def scatter_kernel(msg_hbm, dst_hbm, zeros_hbm, sum_out,
                       idx_v, msg_v, acc_s, sem):
        cid = lax.axis_index("c")
        sid = lax.axis_index("s")
        wid = sid * NC + cid
        r0 = sid * rows_per_tile
        rows = pl.ds(r0, rows_per_tile)
        pltpu.sync_copy(zeros_hbm.at[rows], acc_s.at[rows])
        pltpu.sync_copy(dst_hbm.at[wid], idx_v)
        pltpu.sync_copy(msg_hbm.at[wid], msg_v)
        plsc.subcore_barrier()

        def fire(j, carry):
            pltpu.async_copy(msg_v.at[j], acc_s.at[idx_v.at[j]], sem, add=True)
            return carry

        lax.fori_loop(0, cpw, fire, 0)

        def drain(j, carry):
            pltpu.make_async_copy(msg_v.at[j], acc_s.at[idx_v.at[j]], sem).wait()
            return carry

        lax.fori_loop(0, cpw, drain, 0)
        plsc.subcore_barrier()
        pltpu.sync_copy(acc_s.at[rows], sum_out.at[cid, rows])

    return scatter_kernel(msg_r, dst_r, zeros)


def _finalize_call(sums, cnts, bias2d, n_acc):
    def body(s_ref, c_ref, b_ref, o_ref):
        s = s_ref[0] + s_ref[1]
        c = c_ref[0] + c_ref[1]
        o_ref[...] = s / jnp.maximum(c, 1.0) + b_ref[...]

    return pl.pallas_call(
        body,
        out_shape=jax.ShapeDtypeStruct((n_acc, F), jnp.float32),
    )(sums, cnts, bias2d)


def kernel(x, edge_index, efeat, W_e, b_e, bias):
    n = x.shape[0]
    e = edge_index.shape[1]
    cpw = -(-e // (NW * CHUNK))
    e_pad = NW * cpw * CHUNK
    pad = e_pad - e
    n_acc = ((n // CHUNK) + 1) * CHUNK

    src = edge_index[0]
    dst = edge_index[1]
    src_r = jnp.concatenate([src, jnp.zeros((pad,), jnp.int32)]).reshape(NW, cpw, CHUNK)
    dst_r = jnp.concatenate([dst, jnp.full((pad,), n_acc - 1, jnp.int32)]).reshape(NW, cpw, CHUNK)
    ef_p = jnp.concatenate([efeat, jnp.zeros((pad, F), jnp.float32)])

    zeros = jnp.zeros((n_acc, F), jnp.float32)
    ones = jnp.ones((CHUNK, F), jnp.float32)

    h4, cnts = _gather_call(x, src_r, dst_r, zeros, ones, cpw, n_acc)
    h = h4.reshape(e_pad, F)

    j = lax.broadcasted_iota(jnp.int32, (F, F * F), 1)
    d = lax.broadcasted_iota(jnp.int32, (F, F * F), 0)
    R = (j // F == d).astype(jnp.float32)
    T = (j % F == d).astype(jnp.float32)
    W2 = W_e.reshape(F * F, F)
    B2 = b_e.reshape(F, F)

    msg = _msg_call(ef_p, h, R, T, W2, B2, e_pad)

    sums = _scatter_call(msg.reshape(NW, cpw, CHUNK, F), dst_r, zeros, cpw, n_acc)

    out = _finalize_call(sums, cnts, bias.reshape(1, F), n_acc)
    return out[:n]

# --- scband reference (transcript-rebuilt; emitter-appended) ---
"""Pipeline reference for scband-nnconv-14044543058374 (READ-ONLY COPY).

The authoritative reference and input builder live on the scoring server;
editing this copy changes nothing except your own understanding.
"""

import jax, jax.numpy as jnp
import numpy as np

N = 10000
E = 160000
IN_FEATS = 16
OUT_FEATS = 16
D_EDGE = 16

def setup_inputs(seed: int = 0) -> dict:
    key = jax.random.key(seed)
    k1, k2, k3, k4 = jax.random.split(key, 4)
    x = jax.random.normal(k1, (N, IN_FEATS), dtype=jnp.float32)
    edge_index = jax.random.randint(k2, (2, E), 0, N, dtype=jnp.int32)
    efeat = jax.random.normal(k3, (E, D_EDGE), dtype=jnp.float32)
    # edge_func = nn.Linear(D_EDGE, IN_FEATS*OUT_FEATS)
    W_e = jax.random.normal(k4, (D_EDGE, IN_FEATS * OUT_FEATS), dtype=jnp.float32) * 0.05
    b_e = jnp.zeros((IN_FEATS * OUT_FEATS,), dtype=jnp.float32)
    # NNConv output bias (initialized to zeros per reset_parameters)
    bias = jnp.zeros((OUT_FEATS,), dtype=jnp.float32)
    return {"x": x, "edge_index": edge_index, "efeat": efeat, "W_e": W_e, "b_e": b_e, "bias": bias}

def reference(x, edge_index, efeat, W_e, b_e, bias):
    src = edge_index[0]
    dst = edge_index[1]
    # edge_func: Linear on edge features -> per-edge weight matrix [E, IN, OUT]
    w = (efeat @ W_e + b_e).reshape(E, IN_FEATS, OUT_FEATS)
    # u_mul_e: gather source node feats, multiply by per-edge weight
    h_src = x[src]                      # [E, IN]
    m = h_src[:, :, None] * w           # [E, IN, OUT]
    # mean reducer over incoming edges per destination node
    summed = jax.ops.segment_sum(m, dst, num_segments=N)              # [N, IN, OUT]
    counts = jax.ops.segment_sum(jnp.ones((E,), dtype=jnp.float32), dst, num_segments=N)
    neigh = summed / jnp.maximum(counts, 1.0)[:, None, None]
    # rst = neigh.sum(dim=1) + bias
    rst = neigh.sum(axis=1) + bias      # [N, OUT]
    return rst

if __name__ == "__main__":
    import jax
    _d = setup_inputs()
    print(jax.jit(kernel)(*tuple(_d.values())))

</pallas_src>

<mosaic_0001>
#map = affine_map<(d0, d1) -> (0, 0)>
#map1 = affine_map<(d0, d1) -> (0, 0, 0)>
#map2 = affine_map<(d0, d1) -> (0, 0, 0, 0)>
module attributes {stable_mosaic.version = 14 : i64} {
  func.func @gather_kernel(%arg0: i32, %arg1: i32, %arg2: memref<10000x16xf32, #tpu.memory_space<hbm>>, %arg3: memref<32x40x128xi32, #tpu.memory_space<hbm>>, %arg4: memref<32x40x128xi32, #tpu.memory_space<hbm>>, %arg5: memref<10112x16xf32, #tpu.memory_space<hbm>>, %arg6: memref<128x16xf32, #tpu.memory_space<hbm>>, %arg7: memref<32x40x128x16xf32, #tpu.memory_space<hbm>>, %arg8: memref<2x10112x16xf32, #tpu.memory_space<hbm>>, %arg9: memref<40x128xi32, #tpu.memory_space<vmem>>, %arg10: memref<40x128xi32, #tpu.memory_space<vmem>>, %arg11: memref<40x128x16xf32, #tpu.memory_space<vmem>>, %arg12: memref<128x16xf32, #tpu.memory_space<vmem>>, %arg13: memref<10112x16xf32, #tpu.memory_space<vmem_shared>>, %arg14: memref<!tpu.dma_semaphore, #tpu.memory_space<semaphore_mem>>, %arg15: memref<!tpu.dma_semaphore, #tpu.memory_space<semaphore_mem>>) attributes {dimension_semantics = [#tpu.dimension_semantics<core_parallel>, #tpu.dimension_semantics<subcore_parallel>], iteration_bounds = array<i64: 2, 16>, scalar_prefetch = 0 : i64, scratch_operands = 7 : i64, tpu.core_type = #tpu.core_type<sc_vector_subcore>, window_params = [{transform_indices = #map}, {transform_indices = #map1}, {transform_indices = #map1}, {transform_indices = #map}, {transform_indices = #map}, {transform_indices = #map2}, {transform_indices = #map1}]} {
    %mul3A = arith.constant 2 : i32
    %mul3A_0 = arith.muli %arg1, %mul3A : i32
    %add3A = arith.addi %mul3A_0, %arg0 : i32
    %mul3A_1 = arith.constant 632 : i32
    %mul3A_2 = arith.muli %arg1, %mul3A_1 : i32
    "tpu.region"() ({
      %run_scoped3A = tpu.sem_alloc : memref<!tpu.dma_semaphore, #tpu.memory_space<semaphore_mem>>
      %dma_start3A = arith.constant 0 : i32
      %dma_start3A_15 = tpu.memref_slice %arg13[%mul3A_2, %dma_start3A] : memref<10112x16xf32, #tpu.memory_space<vmem_shared>> -> memref<632x16xf32, #tpu.memory_space<vmem_shared>>
      %dma_start3A_16 = arith.constant 0 : i32
      %dma_start3A_17 = tpu.memref_slice %arg5[%mul3A_2, %dma_start3A_16] : memref<10112x16xf32, #tpu.memory_space<hbm>> -> memref<632x16xf32, #tpu.memory_space<hbm>>
      tpu.enqueue_dma source(%dma_start3A_17 : memref<632x16xf32, #tpu.memory_space<hbm>>) target(%dma_start3A_15 : memref<632x16xf32, #tpu.memory_space<vmem_shared>>) target_semaphore(%run_scoped3A : memref<!tpu.dma_semaphore, #tpu.memory_space<semaphore_mem>>)
      %dma_wait3A = arith.constant 0 : i32
      %dma_wait3A_18 = tpu.memref_slice %arg13[%mul3A_2, %dma_wait3A] : memref<10112x16xf32, #tpu.memory_space<vmem_shared>> -> memref<632x16xf32, #tpu.memory_space<vmem_shared>>
      %dma_wait3A_19 = arith.constant 0 : i32
      %dma_wait3A_20 = tpu.memref_slice %arg5[%mul3A_2, %dma_wait3A_19] : memref<10112x16xf32, #tpu.memory_space<hbm>> -> memref<632x16xf32, #tpu.memory_space<hbm>>
      tpu.wait_dma2 semaphore(%run_scoped3A : memref<!tpu.dma_semaphore, #tpu.memory_space<semaphore_mem>>) src(%dma_wait3A_20 : memref<632x16xf32, #tpu.memory_space<hbm>>) dst(%dma_wait3A_18 : memref<632x16xf32, #tpu.memory_space<vmem_shared>>)
      tpu.yield
    }) : () -> ()
    "tpu.region"() ({
      %run_scoped3A = tpu.sem_alloc : memref<!tpu.dma_semaphore, #tpu.memory_space<semaphore_mem>>
      %dma_start3A = arith.constant 0 : i32
      %dma_start3A_15 = arith.constant 0 : i32
      %dma_start3A_16 = tpu.memref_slice %arg3[%add3A, %dma_start3A, %dma_start3A_15] : memref<32x40x128xi32, #tpu.memory_space<hbm>> -> memref<1x40x128xi32, #tpu.memory_space<hbm>>
      %dma_start3A_17 = tpu.memref_squeeze %dma_start3A_16 : memref<1x40x128xi32, #tpu.memory_space<hbm>> -> memref<40x128xi32, #tpu.memory_space<hbm>>
      %dma_start3A_18 = arith.constant 0 : i32
      %dma_start3A_19 = arith.constant 0 : i32
      %dma_start3A_20 = tpu.memref_slice %arg3[%add3A, %dma_start3A_18, %dma_start3A_19] : memref<32x40x128xi32, #tpu.memory_space<hbm>> -> memref<1x40x128xi32, #tpu.memory_space<hbm>>
      %dma_start3A_21 = tpu.memref_squeeze %dma_start3A_20 : memref<1x40x128xi32, #tpu.memory_space<hbm>> -> memref<40x128xi32, #tpu.memory_space<hbm>>
      tpu.enqueue_dma source(%dma_start3A_21 : memref<40x128xi32, #tpu.memory_space<hbm>>) target(%arg9 : memref<40x128xi32, #tpu.memory_space<vmem>>) target_semaphore(%run_scoped3A : memref<!tpu.dma_semaphore, #tpu.memory_space<semaphore_mem>>)
      %dma_wait3A = arith.constant 0 : i32
      %dma_wait3A_22 = arith.constant 0 : i32
      %dma_wait3A_23 = tpu.memref_slice %arg3[%add3A, %dma_wait3A, %dma_wait3A_22] : memref<32x40x128xi32, #tpu.memory_space<hbm>> -> memref<1x40x128xi32, #tpu.memory_space<hbm>>
      %dma_wait3A_24 = tpu.memref_squeeze %dma_wait3A_23 : memref<1x40x128xi32, #tpu.memory_space<hbm>> -> memref<40x128xi32, #tpu.memory_space<hbm>>
      %dma_wait3A_25 = arith.constant 0 : i32
      %dma_wait3A_26 = arith.constant 0 : i32
      %dma_wait3A_27 = tpu.memref_slice %arg3[%add3A, %dma_wait3A_25, %dma_wait3A_26] : memref<32x40x128xi32, #tpu.memory_space<hbm>> -> memref<1x40x128xi32, #tpu.memory_space<hbm>>
      %dma_wait3A_28 = tpu.memref_squeeze %dma_wait3A_27 : memref<1x40x128xi32, #tpu.memory_space<hbm>> -> memref<40x128xi32, #tpu.memory_space<hbm>>
      tpu.wait_dma2 semaphore(%run_scoped3A : memref<!tpu.dma_semaphore, #tpu.memory_space<semaphore_mem>>) src(%dma_wait3A_28 : memref<40x128xi32, #tpu.memory_space<hbm>>) dst(%arg9 : memref<40x128xi32, #tpu.memory_space<vmem>>)
      tpu.yield
    }) : () -> ()
    "tpu.region"() ({
      %run_scoped3A = tpu.sem_alloc : memref<!tpu.dma_semaphore, #tpu.memory_space<semaphore_mem>>
      %dma_start3A = arith.constant 0 : i32
      %dma_start3A_15 = arith.constant 0 : i32
      %dma_start3A_16 = tpu.memref_slice %arg4[%add3A, %dma_start3A, %dma_start3A_15] : memref<32x40x128xi32, #tpu.memory_space<hbm>> -> memref<1x40x128xi32, #tpu.memory_space<hbm>>
      %dma_start3A_17 = tpu.memref_squeeze %dma_start3A_16 : memref<1x40x128xi32, #tpu.memory_space<hbm>> -> memref<40x128xi32, #tpu.memory_space<hbm>>
      %dma_start3A_18 = arith.constant 0 : i32
      %dma_start3A_19 = arith.constant 0 : i32
      %dma_start3A_20 = tpu.memref_slice %arg4[%add3A, %dma_start3A_18, %dma_start3A_19] : memref<32x40x128xi32, #tpu.memory_space<hbm>> -> memref<1x40x128xi32, #tpu.memory_space<hbm>>
      %dma_start3A_21 = tpu.memref_squeeze %dma_start3A_20 : memref<1x40x128xi32, #tpu.memory_space<hbm>> -> memref<40x128xi32, #tpu.memory_space<hbm>>
      tpu.enqueue_dma source(%dma_start3A_21 : memref<40x128xi32, #tpu.memory_space<hbm>>) target(%arg10 : memref<40x128xi32, #tpu.memory_space<vmem>>) target_semaphore(%run_scoped3A : memref<!tpu.dma_semaphore, #tpu.memory_space<semaphore_mem>>)
      %dma_wait3A = arith.constant 0 : i32
      %dma_wait3A_22 = arith.constant 0 : i32
      %dma_wait3A_23 = tpu.memref_slice %arg4[%add3A, %dma_wait3A, %dma_wait3A_22] : memref<32x40x128xi32, #tpu.memory_space<hbm>> -> memref<1x40x128xi32, #tpu.memory_space<hbm>>
      %dma_wait3A_24 = tpu.memref_squeeze %dma_wait3A_23 : memref<1x40x128xi32, #tpu.memory_space<hbm>> -> memref<40x128xi32, #tpu.memory_space<hbm>>
      %dma_wait3A_25 = arith.constant 0 : i32
      %dma_wait3A_26 = arith.constant 0 : i32
      %dma_wait3A_27 = tpu.memref_slice %arg4[%add3A, %dma_wait3A_25, %dma_wait3A_26] : memref<32x40x128xi32, #tpu.memory_space<hbm>> -> memref<1x40x128xi32, #tpu.memory_space<hbm>>
      %dma_wait3A_28 = tpu.memref_squeeze %dma_wait3A_27 : memref<1x40x128xi32, #tpu.memory_space<hbm>> -> memref<40x128xi32, #tpu.memory_space<hbm>>
      tpu.wait_dma2 semaphore(%run_scoped3A : memref<!tpu.dma_semaphore, #tpu.memory_space<semaphore_mem>>) src(%dma_wait3A_28 : memref<40x128xi32, #tpu.memory_space<hbm>>) dst(%arg10 : memref<40x128xi32, #tpu.memory_space<vmem>>)
      tpu.yield
    }) : () -> ()
    "tpu.region"() ({
      %run_scoped3A = tpu.sem_alloc : memref<!tpu.dma_semaphore, #tpu.memory_space<semaphore_mem>>
      tpu.enqueue_dma source(%arg6 : memref<128x16xf32, #tpu.memory_space<hbm>>) target(%arg12 : memref<128x16xf32, #tpu.memory_space<vmem>>) target_semaphore(%run_scoped3A : memref<!tpu.dma_semaphore, #tpu.memory_space<semaphore_mem>>)
      tpu.wait_dma2 semaphore(%run_scoped3A : memref<!tpu.dma_semaphore, #tpu.memory_space<semaphore_mem>>) src(%arg6 : memref<128x16xf32, #tpu.memory_space<hbm>>) dst(%arg12 : memref<128x16xf32, #tpu.memory_space<vmem>>)
      tpu.yield
    }) : () -> ()
    %barrier3A = arith.constant 0 : index
    tpu.barrier barrier_id(%barrier3A)
    %scan3A = arith.constant 0 : i32
    %scan3A_3 = arith.constant 0 : i32
    %scan3A_4 = arith.constant 40 : i32
    %scan3A_5 = arith.addi %scan3A_3, %scan3A_4 : i32
    %scan3A_6 = arith.constant 1 : i32
    scf.for %scan3A_15 = %scan3A_3 to %scan3A_5 step %scan3A_6  : i32 {
      %dma_start3A = arith.constant 0 : i32
      %dma_start3A_16 = arith.constant 0 : i32
      %dma_start3A_17 = tpu.memref_slice %arg11[%scan3A_15, %dma_start3A, %dma_start3A_16] : memref<40x128x16xf32, #tpu.memory_space<vmem>> -> memref<1x128x16xf32, #tpu.memory_space<vmem>>
      %dma_start3A_18 = tpu.memref_squeeze %dma_start3A_17 : memref<1x128x16xf32, #tpu.memory_space<vmem>> -> memref<128x16xf32, #tpu.memory_space<vmem>>
      %dma_start3A_19 = arith.constant 0 : i32
      %dma_start3A_20 = tpu.memref_slice %arg9[%scan3A_15, %dma_start3A_19] : memref<40x128xi32, #tpu.memory_space<vmem>> -> memref<1x128xi32, #tpu.memory_space<vmem>>
      %dma_start3A_21 = tpu.memref_squeeze %dma_start3A_20 : memref<1x128xi32, #tpu.memory_space<vmem>> -> memref<128xi32, #tpu.memory_space<vmem>>
      %dma_start3A_22 = arith.constant 0 : i32
      %dma_start3A_23 = arith.constant 0 : i32
      %dma_start3A_24 = tpu.memref_slice %arg2[%dma_start3A_22, %dma_start3A_23] : memref<10000x16xf32, #tpu.memory_space<hbm>> -> memref<10000x16xf32, #tpu.memory_space<hbm>>
      tpu.enqueue_indirect_dma source(%dma_start3A_24 : memref<10000x16xf32, #tpu.memory_space<hbm>>) target(%dma_start3A_18 : memref<128x16xf32, #tpu.memory_space<vmem>>) offsets(%dma_start3A_21 : memref<128xi32, #tpu.memory_space<vmem>>) semaphore(%arg14 : memref<!tpu.dma_semaphore, #tpu.memory_space<semaphore_mem>>)
      %dma_start3A_25 = arith.constant 0 : i32
      %dma_start3A_26 = tpu.memref_slice %arg10[%scan3A_15, %dma_start3A_25] : memref<40x128xi32, #tpu.memory_space<vmem>> -> memref<1x128xi32, #tpu.memory_space<vmem>>
      %dma_start3A_27 = tpu.memref_squeeze %dma_start3A_26 : memref<1x128xi32, #tpu.memory_space<vmem>> -> memref<128xi32, #tpu.memory_space<vmem>>
      %dma_start3A_28 = arith.constant 0 : i32
      %dma_start3A_29 = arith.constant 0 : i32
      %dma_start3A_30 = tpu.memref_slice %arg13[%dma_start3A_28, %dma_start3A_29] : memref<10112x16xf32, #tpu.memory_space<vmem_shared>> -> memref<10112x16xf32, #tpu.memory_space<vmem_shared>>
      tpu.enqueue_indirect_dma source(%arg12 : memref<128x16xf32, #tpu.memory_space<vmem>>) target(%dma_start3A_30 : memref<10112x16xf32, #tpu.memory_space<vmem_shared>>) offsets(%dma_start3A_27 : memref<128xi32, #tpu.memory_space<vmem>>) semaphore(%arg15 : memref<!tpu.dma_semaphore, #tpu.memory_space<semaphore_mem>>) {add = true}
    }
    %scan3A_7 = arith.constant 40 : i32
    %scan3A_8 = arith.constant 0 : i32
    %scan3A_9 = arith.constant 0 : i32
    %scan3A_10 = arith.constant 40 : i32
    %scan3A_11 = arith.addi %scan3A_9, %scan3A_10 : i32
    %scan3A_12 = arith.constant 1 : i32
    scf.for %scan3A_15 = %scan3A_9 to %scan3A_11 step %scan3A_12  : i32 {
      %dma_wait3A = arith.constant 0 : i32
      %dma_wait3A_16 = arith.constant 0 : i32
      %dma_wait3A_17 = tpu.memref_slice %arg11[%scan3A_15, %dma_wait3A, %dma_wait3A_16] : memref<40x128x16xf32, #tpu.memory_space<vmem>> -> memref<1x128x16xf32, #tpu.memory_space<vmem>>
      %dma_wait3A_18 = tpu.memref_squeeze %dma_wait3A_17 : memref<1x128x16xf32, #tpu.memory_space<vmem>> -> memref<128x16xf32, #tpu.memory_space<vmem>>
      %dma_wait3A_19 = arith.constant 0 : i32
      %dma_wait3A_20 = tpu.memref_slice %arg9[%scan3A_15, %dma_wait3A_19] : memref<40x128xi32, #tpu.memory_space<vmem>> -> memref<1x128xi32, #tpu.memory_space<vmem>>
      %dma_wait3A_21 = tpu.memref_squeeze %dma_wait3A_20 : memref<1x128xi32, #tpu.memory_space<vmem>> -> memref<128xi32, #tpu.memory_space<vmem>>
      %dma_wait3A_22 = arith.constant 0 : i32
      %dma_wait3A_23 = arith.constant 0 : i32
      %dma_wait3A_24 = tpu.memref_slice %arg2[%dma_wait3A_22, %dma_wait3A_23] : memref<10000x16xf32, #tpu.memory_space<hbm>> -> memref<10000x16xf32, #tpu.memory_space<hbm>>
      tpu.wait_indirect_dma semaphore(%arg14 : memref<!tpu.dma_semaphore, #tpu.memory_space<semaphore_mem>>) src(%dma_wait3A_24 : memref<10000x16xf32, #tpu.memory_space<hbm>>) dst(%dma_wait3A_18 : memref<128x16xf32, #tpu.memory_space<vmem>>)
      %dma_wait3A_25 = arith.constant 0 : i32
      %dma_wait3A_26 = tpu.memref_slice %arg10[%scan3A_15, %dma_wait3A_25] : memref<40x128xi32, #tpu.memory_space<vmem>> -> memref<1x128xi32, #tpu.memory_space<vmem>>
      %dma_wait3A_27 = tpu.memref_squeeze %dma_wait3A_26 : memref<1x128xi32, #tpu.memory_space<vmem>> -> memref<128xi32, #tpu.memory_space<vmem>>
      %dma_wait3A_28 = arith.constant 0 : i32
      %dma_wait3A_29 = arith.constant 0 : i32
      %dma_wait3A_30 = tpu.memref_slice %arg13[%dma_wait3A_28, %dma_wait3A_29] : memref<10112x16xf32, #tpu.memory_space<vmem_shared>> -> memref<10112x16xf32, #tpu.memory_space<vmem_shared>>
      tpu.wait_indirect_dma semaphore(%arg15 : memref<!tpu.dma_semaphore, #tpu.memory_space<semaphore_mem>>) src(%arg12 : memref<128x16xf32, #tpu.memory_space<vmem>>) dst(%dma_wait3A_30 : memref<10112x16xf32, #tpu.memory_space<vmem_shared>>)
    }
    %scan3A_13 = arith.constant 40 : i32
    "tpu.region"() ({
      %run_scoped3A = tpu.sem_alloc : memref<!tpu.dma_semaphore, #tpu.memory_space<semaphore_mem>>
      %dma_start3A = arith.constant 0 : i32
      %dma_start3A_15 = arith.constant 0 : i32
      %dma_start3A_16 = arith.constant 0 : i32
      %dma_start3A_17 = tpu.memref_slice %arg7[%add3A, %dma_start3A, %dma_start3A_15, %dma_start3A_16] : memref<32x40x128x16xf32, #tpu.memory_space<hbm>> -> memref<1x40x128x16xf32, #tpu.memory_space<hbm>>
      %dma_start3A_18 = tpu.memref_squeeze %dma_start3A_17 : memref<1x40x128x16xf32, #tpu.memory_space<hbm>> -> memref<40x128x16xf32, #tpu.memory_space<hbm>>
      %dma_start3A_19 = arith.constant 0 : i32
      %dma_start3A_20 = arith.constant 0 : i32
      %dma_start3A_21 = arith.constant 0 : i32
      %dma_start3A_22 = tpu.memref_slice %arg7[%add3A, %dma_start3A_19, %dma_start3A_20, %dma_start3A_21] : memref<32x40x128x16xf32, #tpu.memory_space<hbm>> -> memref<1x40x128x16xf32, #tpu.memory_space<hbm>>
      %dma_start3A_23 = tpu.memref_squeeze %dma_start3A_22 : memref<1x40x128x16xf32, #tpu.memory_space<hbm>> -> memref<40x128x16xf32, #tpu.memory_space<hbm>>
      tpu.enqueue_dma source(%arg11 : memref<40x128x16xf32, #tpu.memory_space<vmem>>) target(%dma_start3A_23 : memref<40x128x16xf32, #tpu.memory_space<hbm>>) target_semaphore(%run_scoped3A : memref<!tpu.dma_semaphore, #tpu.memory_space<semaphore_mem>>)
      %dma_wait3A = arith.constant 0 : i32
      %dma_wait3A_24 = arith.constant 0 : i32
      %dma_wait3A_25 = arith.constant 0 : i32
      %dma_wait3A_26 = tpu.memref_slice %arg7[%add3A, %dma_wait3A, %dma_wait3A_24, %dma_wait3A_25] : memref<32x40x128x16xf32, #tpu.memory_space<hbm>> -> memref<1x40x128x16xf32, #tpu.memory_space<hbm>>
      %dma_wait3A_27 = tpu.memref_squeeze %dma_wait3A_26 : memref<1x40x128x16xf32, #tpu.memory_space<hbm>> -> memref<40x128x16xf32, #tpu.memory_space<hbm>>
      %dma_wait3A_28 = arith.constant 0 : i32
      %dma_wait3A_29 = arith.constant 0 : i32
      %dma_wait3A_30 = arith.constant 0 : i32
      %dma_wait3A_31 = tpu.memref_slice %arg7[%add3A, %dma_wait3A_28, %dma_wait3A_29, %dma_wait3A_30] : memref<32x40x128x16xf32, #tpu.memory_space<hbm>> -> memref<1x40x128x16xf32, #tpu.memory_space<hbm>>
      %dma_wait3A_32 = tpu.memref_squeeze %dma_wait3A_31 : memref<1x40x128x16xf32, #tpu.memory_space<hbm>> -> memref<40x128x16xf32, #tpu.memory_space<hbm>>
      tpu.wait_dma2 semaphore(%run_scoped3A : memref<!tpu.dma_semaphore, #tpu.memory_space<semaphore_mem>>) src(%arg11 : memref<40x128x16xf32, #tpu.memory_space<vmem>>) dst(%dma_wait3A_32 : memref<40x128x16xf32, #tpu.memory_space<hbm>>)
      tpu.yield
    }) : () -> ()
    %barrier3A_14 = arith.constant 0 : index
    tpu.barrier barrier_id(%barrier3A_14)
    "tpu.region"() ({
      %run_scoped3A = tpu.sem_alloc : memref<!tpu.dma_semaphore, #tpu.memory_space<semaphore_mem>>
      %dma_start3A = arith.constant 0 : i32
      %dma_start3A_15 = tpu.memref_slice %arg8[%arg0, %mul3A_2, %dma_start3A] : memref<2x10112x16xf32, #tpu.memory_space<hbm>> -> memref<1x632x16xf32, #tpu.memory_space<hbm>>
      %dma_start3A_16 = tpu.memref_squeeze %dma_start3A_15 : memref<1x632x16xf32, #tpu.memory_space<hbm>> -> memref<632x16xf32, #tpu.memory_space<hbm>>
      %dma_start3A_17 = arith.constant 0 : i32
      %dma_start3A_18 = tpu.memref_slice %arg13[%mul3A_2, %dma_start3A_17] : memref<10112x16xf32, #tpu.memory_space<vmem_shared>> -> memref<632x16xf32, #tpu.memory_space<vmem_shared>>
      tpu.enqueue_dma source(%dma_start3A_18 : memref<632x16xf32, #tpu.memory_space<vmem_shared>>) target(%dma_start3A_16 : memref<632x16xf32, #tpu.memory_space<hbm>>) target_semaphore(%run_scoped3A : memref<!tpu.dma_semaphore, #tpu.memory_space<semaphore_mem>>)
      %dma_wait3A = arith.constant 0 : i32
      %dma_wait3A_19 = tpu.memref_slice %arg8[%arg0, %mul3A_2, %dma_wait3A] : memref<2x10112x16xf32, #tpu.memory_space<hbm>> -> memref<1x632x16xf32, #tpu.memory_space<hbm>>
      %dma_wait3A_20 = tpu.memref_squeeze %dma_wait3A_19 : memref<1x632x16xf32, #tpu.memory_space<hbm>> -> memref<632x16xf32, #tpu.memory_space<hbm>>
      %dma_wait3A_21 = arith.constant 0 : i32
      %dma_wait3A_22 = tpu.memref_slice %arg13[%mul3A_2, %dma_wait3A_21] : memref<10112x16xf32, #tpu.memory_space<vmem_shared>> -> memref<632x16xf32, #tpu.memory_space<vmem_shared>>
      tpu.wait_dma2 semaphore(%run_scoped3A : memref<!tpu.dma_semaphore, #tpu.memory_space<semaphore_mem>>) src(%dma_wait3A_22 : memref<632x16xf32, #tpu.memory_space<vmem_shared>>) dst(%dma_wait3A_20 : memref<632x16xf32, #tpu.memory_space<hbm>>)
      tpu.yield
    }) : () -> ()
    return
  }
}

#map = affine_map<(d0, d1) -> (0, 0, 0, 0)>
#map1 = affine_map<(d0, d1) -> (0, 0, 0)>
#map2 = affine_map<(d0, d1) -> (0, 0)>
module attributes {stable_mosaic.version = 14 : i64} {
  func.func @scatter_kernel(%arg0: i32, %arg1: i32, %arg2: memref<32x40x128x16xf32, #tpu.memory_space<hbm>>, %arg3: memref<32x40x128xi32, #tpu.memory_space<hbm>>, %arg4: memref<10112x16xf32, #tpu.memory_space<hbm>>, %arg5: memref<2x10112x16xf32, #tpu.memory_space<hbm>>, %arg6: memref<40x128xi32, #tpu.memory_space<vmem>>, %arg7: memref<40x128x16xf32, #tpu.memory_space<vmem>>, %arg8: memref<10112x16xf32, #tpu.memory_space<vmem_shared>>, %arg9: memref<!tpu.dma_semaphore, #tpu.memory_space<semaphore_mem>>) attributes {dimension_semantics = [#tpu.dimension_semantics<core_parallel>, #tpu.dimension_semantics<subcore_parallel>], iteration_bounds = array<i64: 2, 16>, scalar_prefetch = 0 : i64, scratch_operands = 4 : i64, tpu.core_type = #tpu.core_type<sc_vector_subcore>, window_params = [{transform_indices = #map}, {transform_indices = #map1}, {transform_indices = #map2}, {transform_indices = #map1}]} {
    %mul3A = arith.constant 2 : i32
    %mul3A_0 = arith.muli %arg1, %mul3A : i32
    %add3A = arith.addi %mul3A_0, %arg0 : i32
    %mul3A_1 = arith.constant 632 : i32
    %mul3A_2 = arith.muli %arg1, %mul3A_1 : i32
    "tpu.region"() ({
      %run_scoped3A = tpu.sem_alloc : memref<!tpu.dma_semaphore, #tpu.memory_space<semaphore_mem>>
      %dma_start3A = arith.constant 0 : i32
      %dma_start3A_15 = tpu.memref_slice %arg8[%mul3A_2, %dma_start3A] : memref<10112x16xf32, #tpu.memory_space<vmem_shared>> -> memref<632x16xf32, #tpu.memory_space<vmem_shared>>
      %dma_start3A_16 = arith.constant 0 : i32
      %dma_start3A_17 = tpu.memref_slice %arg4[%mul3A_2, %dma_start3A_16] : memref<10112x16xf32, #tpu.memory_space<hbm>> -> memref<632x16xf32, #tpu.memory_space<hbm>>
      tpu.enqueue_dma source(%dma_start3A_17 : memref<632x16xf32, #tpu.memory_space<hbm>>) target(%dma_start3A_15 : memref<632x16xf32, #tpu.memory_space<vmem_shared>>) target_semaphore(%run_scoped3A : memref<!tpu.dma_semaphore, #tpu.memory_space<semaphore_mem>>)
      %dma_wait3A = arith.constant 0 : i32
      %dma_wait3A_18 = tpu.memref_slice %arg8[%mul3A_2, %dma_wait3A] : memref<10112x16xf32, #tpu.memory_space<vmem_shared>> -> memref<632x16xf32, #tpu.memory_space<vmem_shared>>
      %dma_wait3A_19 = arith.constant 0 : i32
      %dma_wait3A_20 = tpu.memref_slice %arg4[%mul3A_2, %dma_wait3A_19] : memref<10112x16xf32, #tpu.memory_space<hbm>> -> memref<632x16xf32, #tpu.memory_space<hbm>>
      tpu.wait_dma2 semaphore(%run_scoped3A : memref<!tpu.dma_semaphore, #tpu.memory_space<semaphore_mem>>) src(%dma_wait3A_20 : memref<632x16xf32, #tpu.memory_space<hbm>>) dst(%dma_wait3A_18 : memref<632x16xf32, #tpu.memory_space<vmem_shared>>)
      tpu.yield
    }) : () -> ()
    "tpu.region"() ({
      %run_scoped3A = tpu.sem_alloc : memref<!tpu.dma_semaphore, #tpu.memory_space<semaphore_mem>>
      %dma_start3A = arith.constant 0 : i32
      %dma_start3A_15 = arith.constant 0 : i32
      %dma_start3A_16 = tpu.memref_slice %arg3[%add3A, %dma_start3A, %dma_start3A_15] : memref<32x40x128xi32, #tpu.memory_space<hbm>> -> memref<1x40x128xi32, #tpu.memory_space<hbm>>
      %dma_start3A_17 = tpu.memref_squeeze %dma_start3A_16 : memref<1x40x128xi32, #tpu.memory_space<hbm>> -> memref<40x128xi32, #tpu.memory_space<hbm>>
      %dma_start3A_18 = arith.constant 0 : i32
      %dma_start3A_19 = arith.constant 0 : i32
      %dma_start3A_20 = tpu.memref_slice %arg3[%add3A, %dma_start3A_18, %dma_start3A_19] : memref<32x40x128xi32, #tpu.memory_space<hbm>> -> memref<1x40x128xi32, #tpu.memory_space<hbm>>
      %dma_start3A_21 = tpu.memref_squeeze %dma_start3A_20 : memref<1x40x128xi32, #tpu.memory_space<hbm>> -> memref<40x128xi32, #tpu.memory_space<hbm>>
      tpu.enqueue_dma source(%dma_start3A_21 : memref<40x128xi32, #tpu.memory_space<hbm>>) target(%arg6 : memref<40x128xi32, #tpu.memory_space<vmem>>) target_semaphore(%run_scoped3A : memref<!tpu.dma_semaphore, #tpu.memory_space<semaphore_mem>>)
      %dma_wait3A = arith.constant 0 : i32
      %dma_wait3A_22 = arith.constant 0 : i32
      %dma_wait3A_23 = tpu.memref_slice %arg3[%add3A, %dma_wait3A, %dma_wait3A_22] : memref<32x40x128xi32, #tpu.memory_space<hbm>> -> memref<1x40x128xi32, #tpu.memory_space<hbm>>
      %dma_wait3A_24 = tpu.memref_squeeze %dma_wait3A_23 : memref<1x40x128xi32, #tpu.memory_space<hbm>> -> memref<40x128xi32, #tpu.memory_space<hbm>>
      %dma_wait3A_25 = arith.constant 0 : i32
      %dma_wait3A_26 = arith.constant 0 : i32
      %dma_wait3A_27 = tpu.memref_slice %arg3[%add3A, %dma_wait3A_25, %dma_wait3A_26] : memref<32x40x128xi32, #tpu.memory_space<hbm>> -> memref<1x40x128xi32, #tpu.memory_space<hbm>>
      %dma_wait3A_28 = tpu.memref_squeeze %dma_wait3A_27 : memref<1x40x128xi32, #tpu.memory_space<hbm>> -> memref<40x128xi32, #tpu.memory_space<hbm>>
      tpu.wait_dma2 semaphore(%run_scoped3A : memref<!tpu.dma_semaphore, #tpu.memory_space<semaphore_mem>>) src(%dma_wait3A_28 : memref<40x128xi32, #tpu.memory_space<hbm>>) dst(%arg6 : memref<40x128xi32, #tpu.memory_space<vmem>>)
      tpu.yield
    }) : () -> ()
    "tpu.region"() ({
      %run_scoped3A = tpu.sem_alloc : memref<!tpu.dma_semaphore, #tpu.memory_space<semaphore_mem>>
      %dma_start3A = arith.constant 0 : i32
      %dma_start3A_15 = arith.constant 0 : i32
      %dma_start3A_16 = arith.constant 0 : i32
      %dma_start3A_17 = tpu.memref_slice %arg2[%add3A, %dma_start3A, %dma_start3A_15, %dma_start3A_16] : memref<32x40x128x16xf32, #tpu.memory_space<hbm>> -> memref<1x40x128x16xf32, #tpu.memory_space<hbm>>
      %dma_start3A_18 = tpu.memref_squeeze %dma_start3A_17 : memref<1x40x128x16xf32, #tpu.memory_space<hbm>> -> memref<40x128x16xf32, #tpu.memory_space<hbm>>
      %dma_start3A_19 = arith.constant 0 : i32
      %dma_start3A_20 = arith.constant 0 : i32
      %dma_start3A_21 = arith.constant 0 : i32
      %dma_start3A_22 = tpu.memref_slice %arg2[%add3A, %dma_start3A_19, %dma_start3A_20, %dma_start3A_21] : memref<32x40x128x16xf32, #tpu.memory_space<hbm>> -> memref<1x40x128x16xf32, #tpu.memory_space<hbm>>
      %dma_start3A_23 = tpu.memref_squeeze %dma_start3A_22 : memref<1x40x128x16xf32, #tpu.memory_space<hbm>> -> memref<40x128x16xf32, #tpu.memory_space<hbm>>
      tpu.enqueue_dma source(%dma_start3A_23 : memref<40x128x16xf32, #tpu.memory_space<hbm>>) target(%arg7 : memref<40x128x16xf32, #tpu.memory_space<vmem>>) target_semaphore(%run_scoped3A : memref<!tpu.dma_semaphore, #tpu.memory_space<semaphore_mem>>)
      %dma_wait3A = arith.constant 0 : i32
      %dma_wait3A_24 = arith.constant 0 : i32
      %dma_wait3A_25 = arith.constant 0 : i32
      %dma_wait3A_26 = tpu.memref_slice %arg2[%add3A, %dma_wait3A, %dma_wait3A_24, %dma_wait3A_25] : memref<32x40x128x16xf32, #tpu.memory_space<hbm>> -> memref<1x40x128x16xf32, #tpu.memory_space<hbm>>
      %dma_wait3A_27 = tpu.memref_squeeze %dma_wait3A_26 : memref<1x40x128x16xf32, #tpu.memory_space<hbm>> -> memref<40x128x16xf32, #tpu.memory_space<hbm>>
      %dma_wait3A_28 = arith.constant 0 : i32
      %dma_wait3A_29 = arith.constant 0 : i32
      %dma_wait3A_30 = arith.constant 0 : i32
      %dma_wait3A_31 = tpu.memref_slice %arg2[%add3A, %dma_wait3A_28, %dma_wait3A_29, %dma_wait3A_30] : memref<32x40x128x16xf32, #tpu.memory_space<hbm>> -> memref<1x40x128x16xf32, #tpu.memory_space<hbm>>
      %dma_wait3A_32 = tpu.memref_squeeze %dma_wait3A_31 : memref<1x40x128x16xf32, #tpu.memory_space<hbm>> -> memref<40x128x16xf32, #tpu.memory_space<hbm>>
      tpu.wait_dma2 semaphore(%run_scoped3A : memref<!tpu.dma_semaphore, #tpu.memory_space<semaphore_mem>>) src(%dma_wait3A_32 : memref<40x128x16xf32, #tpu.memory_space<hbm>>) dst(%arg7 : memref<40x128x16xf32, #tpu.memory_space<vmem>>)
      tpu.yield
    }) : () -> ()
    %barrier3A = arith.constant 0 : index
    tpu.barrier barrier_id(%barrier3A)
    %scan3A = arith.constant 0 : i32
    %scan3A_3 = arith.constant 0 : i32
    %scan3A_4 = arith.constant 40 : i32
    %scan3A_5 = arith.addi %scan3A_3, %scan3A_4 : i32
    %scan3A_6 = arith.constant 1 : i32
    scf.for %scan3A_15 = %scan3A_3 to %scan3A_5 step %scan3A_6  : i32 {
      %dma_start3A = arith.constant 0 : i32
      %dma_start3A_16 = arith.constant 0 : i32
      %dma_start3A_17 = tpu.memref_slice %arg7[%scan3A_15, %dma_start3A, %dma_start3A_16] : memref<40x128x16xf32, #tpu.memory_space<vmem>> -> memref<1x128x16xf32, #tpu.memory_space<vmem>>
      %dma_start3A_18 = tpu.memref_squeeze %dma_start3A_17 : memref<1x128x16xf32, #tpu.memory_space<vmem>> -> memref<128x16xf32, #tpu.memory_space<vmem>>
      %dma_start3A_19 = arith.constant 0 : i32
      %dma_start3A_20 = tpu.memref_slice %arg6[%scan3A_15, %dma_start3A_19] : memref<40x128xi32, #tpu.memory_space<vmem>> -> memref<1x128xi32, #tpu.memory_space<vmem>>
      %dma_start3A_21 = tpu.memref_squeeze %dma_start3A_20 : memref<1x128xi32, #tpu.memory_space<vmem>> -> memref<128xi32, #tpu.memory_space<vmem>>
      %dma_start3A_22 = arith.constant 0 : i32
      %dma_start3A_23 = arith.constant 0 : i32
      %dma_start3A_24 = tpu.memref_slice %arg8[%dma_start3A_22, %dma_start3A_23] : memref<10112x16xf32, #tpu.memory_space<vmem_shared>> -> memref<10112x16xf32, #tpu.memory_space<vmem_shared>>
      tpu.enqueue_indirect_dma source(%dma_start3A_18 : memref<128x16xf32, #tpu.memory_space<vmem>>) target(%dma_start3A_24 : memref<10112x16xf32, #tpu.memory_space<vmem_shared>>) offsets(%dma_start3A_21 : memref<128xi32, #tpu.memory_space<vmem>>) semaphore(%arg9 : memref<!tpu.dma_semaphore, #tpu.memory_space<semaphore_mem>>) {add = true}
    }
    %scan3A_7 = arith.constant 40 : i32
    %scan3A_8 = arith.constant 0 : i32
    %scan3A_9 = arith.constant 0 : i32
    %scan3A_10 = arith.constant 40 : i32
    %scan3A_11 = arith.addi %scan3A_9, %scan3A_10 : i32
    %scan3A_12 = arith.constant 1 : i32
    scf.for %scan3A_15 = %scan3A_9 to %scan3A_11 step %scan3A_12  : i32 {
      %dma_wait3A = arith.constant 0 : i32
      %dma_wait3A_16 = arith.constant 0 : i32
      %dma_wait3A_17 = tpu.memref_slice %arg7[%scan3A_15, %dma_wait3A, %dma_wait3A_16] : memref<40x128x16xf32, #tpu.memory_space<vmem>> -> memref<1x128x16xf32, #tpu.memory_space<vmem>>
      %dma_wait3A_18 = tpu.memref_squeeze %dma_wait3A_17 : memref<1x128x16xf32, #tpu.memory_space<vmem>> -> memref<128x16xf32, #tpu.memory_space<vmem>>
      %dma_wait3A_19 = arith.constant 0 : i32
      %dma_wait3A_20 = tpu.memref_slice %arg6[%scan3A_15, %dma_wait3A_19] : memref<40x128xi32, #tpu.memory_space<vmem>> -> memref<1x128xi32, #tpu.memory_space<vmem>>
      %dma_wait3A_21 = tpu.memref_squeeze %dma_wait3A_20 : memref<1x128xi32, #tpu.memory_space<vmem>> -> memref<128xi32, #tpu.memory_space<vmem>>
      %dma_wait3A_22 = arith.constant 0 : i32
      %dma_wait3A_23 = arith.constant 0 : i32
      %dma_wait3A_24 = tpu.memref_slice %arg8[%dma_wait3A_22, %dma_wait3A_23] : memref<10112x16xf32, #tpu.memory_space<vmem_shared>> -> memref<10112x16xf32, #tpu.memory_space<vmem_shared>>
      tpu.wait_indirect_dma semaphore(%arg9 : memref<!tpu.dma_semaphore, #tpu.memory_space<semaphore_mem>>) src(%dma_wait3A_18 : memref<128x16xf32, #tpu.memory_space<vmem>>) dst(%dma_wait3A_24 : memref<10112x16xf32, #tpu.memory_space<vmem_shared>>)
    }
    %scan3A_13 = arith.constant 40 : i32
    %barrier3A_14 = arith.constant 0 : index
    tpu.barrier barrier_id(%barrier3A_14)
    "tpu.region"() ({
      %run_scoped3A = tpu.sem_alloc : memref<!tpu.dma_semaphore, #tpu.memory_space<semaphore_mem>>
      %dma_start3A = arith.constant 0 : i32
      %dma_start3A_15 = tpu.memref_slice %arg5[%arg0, %mul3A_2, %dma_start3A] : memref<2x10112x16xf32, #tpu.memory_space<hbm>> -> memref<1x632x16xf32, #tpu.memory_space<hbm>>
      %dma_start3A_16 = tpu.memref_squeeze %dma_start3A_15 : memref<1x632x16xf32, #tpu.memory_space<hbm>> -> memref<632x16xf32, #tpu.memory_space<hbm>>
      %dma_start3A_17 = arith.constant 0 : i32
      %dma_start3A_18 = tpu.memref_slice %arg8[%mul3A_2, %dma_start3A_17] : memref<10112x16xf32, #tpu.memory_space<vmem_shared>> -> memref<632x16xf32, #tpu.memory_space<vmem_shared>>
      tpu.enqueue_dma source(%dma_start3A_18 : memref<632x16xf32, #tpu.memory_space<vmem_shared>>) target(%dma_start3A_16 : memref<632x16xf32, #tpu.memory_space<hbm>>) target_semaphore(%run_scoped3A : memref<!tpu.dma_semaphore, #tpu.memory_space<semaphore_mem>>)
      %dma_wait3A = arith.constant 0 : i32
      %dma_wait3A_19 = tpu.memref_slice %arg5[%arg0, %mul3A_2, %dma_wait3A] : memref<2x10112x16xf32, #tpu.memory_space<hbm>> -> memref<1x632x16xf32, #tpu.memory_space<hbm>>
      %dma_wait3A_20 = tpu.memref_squeeze %dma_wait3A_19 : memref<1x632x16xf32, #tpu.memory_space<hbm>> -> memref<632x16xf32, #tpu.memory_space<hbm>>
      %dma_wait3A_21 = arith.constant 0 : i32
      %dma_wait3A_22 = tpu.memref_slice %arg8[%mul3A_2, %dma_wait3A_21] : memref<10112x16xf32, #tpu.memory_space<vmem_shared>> -> memref<632x16xf32, #tpu.memory_space<vmem_shared>>
      tpu.wait_dma2 semaphore(%run_scoped3A : memref<!tpu.dma_semaphore, #tpu.memory_space<semaphore_mem>>) src(%dma_wait3A_22 : memref<632x16xf32, #tpu.memory_space<vmem_shared>>) dst(%dma_wait3A_20 : memref<632x16xf32, #tpu.memory_space<hbm>>)
      tpu.yield
    }) : () -> ()
    return
  }
}

module attributes {stable_mosaic.version = 14 : i64} {
  func.func @body(%arg0: i32, %arg1: memref<2048x16xf32, #tpu.memory_space<vmem>>, %arg2: memref<2048x16xf32, #tpu.memory_space<vmem>>, %arg3: memref<16x256xf32, #tpu.memory_space<vmem>>, %arg4: memref<16x256xf32, #tpu.memory_space<vmem>>, %arg5: memref<256x16xf32, #tpu.memory_space<vmem>>, %arg6: memref<16x16xf32, #tpu.memory_space<vmem>>, %arg7: memref<2048x16xf32, #tpu.memory_space<vmem>>) attributes {dimension_semantics = [#tpu.dimension_semantics<arbitrary>], iteration_bounds = array<i64: 80>, scalar_prefetch = 0 : i64, scratch_operands = 0 : i64, tpu.core_type = #tpu.core_type<tc>, window_params = [{transform_indices = @transform_0, window_bounds = array<i64: 2048, 16>}, {transform_indices = @transform_1, window_bounds = array<i64: 2048, 16>}, {pipeline_mode = #tpu.pipeline_mode<synchronous>, transform_indices = @transform_2, window_bounds = array<i64: 16, 256>}, {pipeline_mode = #tpu.pipeline_mode<synchronous>, transform_indices = @transform_3, window_bounds = array<i64: 16, 256>}, {pipeline_mode = #tpu.pipeline_mode<synchronous>, transform_indices = @transform_4, window_bounds = array<i64: 256, 16>}, {pipeline_mode = #tpu.pipeline_mode<synchronous>, transform_indices = @transform_5, window_bounds = array<i64: 16, 16>}, {transform_indices = @transform_6, window_bounds = array<i64: 2048, 16>}]} {
    %get3A = arith.constant 0 : index
    %get3A_0 = arith.constant 0 : index
    %get3A_1 = vector.load %arg2[%get3A, %get3A_0] : memref<2048x16xf32, #tpu.memory_space<vmem>>, vector<2048x16xf32>
    %get3A_2 = arith.constant 0 : index
    %get3A_3 = arith.constant 0 : index
    %get3A_4 = vector.load %arg1[%get3A_2, %get3A_3] : memref<2048x16xf32, #tpu.memory_space<vmem>>, vector<2048x16xf32>
    %get3A_5 = arith.constant 0 : index
    %get3A_6 = arith.constant 0 : index
    %get3A_7 = vector.load %arg3[%get3A_5, %get3A_6] : memref<16x256xf32, #tpu.memory_space<vmem>>, vector<16x256xf32>
    %dot_general3A = arith.constant dense<0.000000e+00> : vector<2048x256xf32>
    %dot_general3A_8 = tpu.matmul %get3A_4, %get3A_7, %dot_general3A {dimension_numbers = #tpu.dot_dimension_numbers<[1], [0], [0], [1], [0, 0, 1, 1], [], []>, transpose_lhs_hint = false} : vector<2048x16xf32>, vector<16x256xf32>, vector<2048x256xf32> -> vector<2048x256xf32>
    %get3A_9 = arith.constant 0 : index
    %get3A_10 = arith.constant 0 : index
    %get3A_11 = vector.load %arg4[%get3A_9, %get3A_10] : memref<16x256xf32, #tpu.memory_space<vmem>>, vector<16x256xf32>
    %dot_general3A_12 = arith.constant dense<0.000000e+00> : vector<2048x256xf32>
    %dot_general3A_13 = tpu.matmul %get3A_1, %get3A_11, %dot_general3A_12 {dimension_numbers = #tpu.dot_dimension_numbers<[1], [0], [0], [1], [0, 0, 1, 1], [], []>, transpose_lhs_hint = false} : vector<2048x16xf32>, vector<16x256xf32>, vector<2048x256xf32> -> vector<2048x256xf32>
    %mul3A = arith.mulf %dot_general3A_8, %dot_general3A_13 : vector<2048x256xf32>
    %get3A_14 = arith.constant 0 : index
    %get3A_15 = arith.constant 0 : index
    %get3A_16 = vector.load %arg5[%get3A_14, %get3A_15] : memref<256x16xf32, #tpu.memory_space<vmem>>, vector<256x16xf32>
    %dot_general3A_17 = arith.constant dense<0.000000e+00> : vector<2048x16xf32>
    %dot_general3A_18 = tpu.matmul %mul3A, %get3A_16, %dot_general3A_17 {dimension_numbers = #tpu.dot_dimension_numbers<[1], [0], [0], [1], [0, 0, 1, 1], [], []>, transpose_lhs_hint = false} : vector<2048x256xf32>, vector<256x16xf32>, vector<2048x16xf32> -> vector<2048x16xf32>
    %get3A_19 = arith.constant 0 : index
    %get3A_20 = arith.constant 0 : index
    %get3A_21 = vector.load %arg6[%get3A_19, %get3A_20] : memref<16x16xf32, #tpu.memory_space<vmem>>, vector<16x16xf32>
    %dot_general3A_22 = arith.constant dense<0.000000e+00> : vector<2048x16xf32>
    %dot_general3A_23 = tpu.matmul %get3A_1, %get3A_21, %dot_general3A_22 {dimension_numbers = #tpu.dot_dimension_numbers<[1], [0], [0], [1], [0, 0, 1, 1], [], []>, transpose_lhs_hint = false} : vector<2048x16xf32>, vector<16x16xf32>, vector<2048x16xf32> -> vector<2048x16xf32>
    %add3A = arith.addf %dot_general3A_18, %dot_general3A_23 : vector<2048x16xf32>
    %swap3A = arith.constant 0 : index
    %swap3A_24 = arith.constant 0 : index
    %swap3A_25 = vector.load %arg7[%swap3A, %swap3A_24] : memref<2048x16xf32, #tpu.memory_space<vmem>>, vector<2048x16xf32>
    tpu.vector_store %arg7[%swap3A, %swap3A_24], %add3A {strides = array<i32>} : memref<2048x16xf32, #tpu.memory_space<vmem>>, vector<2048x16xf32>,
    return
  }
  func.func @transform_0(%arg0: i32) -> (i32, i32) {
    %c0_i32 = arith.constant 0 : i32
    %c0_i32_0 = arith.constant 0 : i32
    return %arg0, %c0_i32 : i32, i32
  }
  func.func @transform_1(%arg0: i32) -> (i32, i32) {
    %c0_i32 = arith.constant 0 : i32
    %c0_i32_0 = arith.constant 0 : i32
    return %arg0, %c0_i32 : i32, i32
  }
  func.func @transform_2(%arg0: i32) -> (i32, i32) {
    %c0_i32 = arith.constant 0 : i32
    %c0_i32_0 = arith.constant 0 : i32
    %c0_i32_1 = arith.constant 0 : i32
    return %c0_i32, %c0_i32_0 : i32, i32
  }
  func.func @transform_3(%arg0: i32) -> (i32, i32) {
    %c0_i32 = arith.constant 0 : i32
    %c0_i32_0 = arith.constant 0 : i32
    %c0_i32_1 = arith.constant 0 : i32
    return %c0_i32, %c0_i32_0 : i32, i32
  }
  func.func @transform_4(%arg0: i32) -> (i32, i32) {
    %c0_i32 = arith.constant 0 : i32
    %c0_i32_0 = arith.constant 0 : i32
    %c0_i32_1 = arith.constant 0 : i32
    return %c0_i32, %c0_i32_0 : i32, i32
  }
  func.func @transform_5(%arg0: i32) -> (i32, i32) {
    %c0_i32 = arith.constant 0 : i32
    %c0_i32_0 = arith.constant 0 : i32
    %c0_i32_1 = arith.constant 0 : i32
    return %c0_i32, %c0_i32_0 : i32, i32
  }
  func.func @transform_6(%arg0: i32) -> (i32, i32) {
    %c0_i32 = arith.constant 0 : i32
    %c0_i32_0 = arith.constant 0 : i32
    return %arg0, %c0_i32 : i32, i32
  }
}

module attributes {stable_mosaic.version = 14 : i64} {
  func.func @body(%arg0: memref<2x10112x16xf32, #tpu.memory_space<vmem>>, %arg1: memref<2x10112x16xf32, #tpu.memory_space<vmem>>, %arg2: memref<1x16xf32, #tpu.memory_space<vmem>>, %arg3: memref<10112x16xf32, #tpu.memory_space<vmem>>) attributes {dimension_semantics = [], scalar_prefetch = 0 : i64, scratch_operands = 0 : i64, tpu.core_type = #tpu.core_type<tc>} {
    %get3A = arith.constant 0 : index
    %get3A_0 = arith.constant 0 : index
    %get3A_1 = arith.constant 0 : index
    %get3A_2 = vector.load %arg0[%get3A, %get3A_0, %get3A_1] : memref<2x10112x16xf32, #tpu.memory_space<vmem>>, vector<1x10112x16xf32>
    %get3A_3 = vector.shape_cast %get3A_2 : vector<1x10112x16xf32> to vector<10112x16xf32>
    %get3A_4 = arith.constant 1 : index
    %get3A_5 = arith.constant 0 : index
    %get3A_6 = arith.constant 0 : index
    %get3A_7 = vector.load %arg0[%get3A_4, %get3A_5, %get3A_6] : memref<2x10112x16xf32, #tpu.memory_space<vmem>>, vector<1x10112x16xf32>
    %get3A_8 = vector.shape_cast %get3A_7 : vector<1x10112x16xf32> to vector<10112x16xf32>
    %add3A = arith.addf %get3A_3, %get3A_8 : vector<10112x16xf32>
    %get3A_9 = arith.constant 0 : index
    %get3A_10 = arith.constant 0 : index
    %get3A_11 = arith.constant 0 : index
    %get3A_12 = vector.load %arg1[%get3A_9, %get3A_10, %get3A_11] : memref<2x10112x16xf32, #tpu.memory_space<vmem>>, vector<1x10112x16xf32>
    %get3A_13 = vector.shape_cast %get3A_12 : vector<1x10112x16xf32> to vector<10112x16xf32>
    %get3A_14 = arith.constant 1 : index
    %get3A_15 = arith.constant 0 : index
    %get3A_16 = arith.constant 0 : index
    %get3A_17 = vector.load %arg1[%get3A_14, %get3A_15, %get3A_16] : memref<2x10112x16xf32, #tpu.memory_space<vmem>>, vector<1x10112x16xf32>
    %get3A_18 = vector.shape_cast %get3A_17 : vector<1x10112x16xf32> to vector<10112x16xf32>
    %add3A_19 = arith.addf %get3A_13, %get3A_18 : vector<10112x16xf32>
    %max3A = arith.constant 1.000000e+00 : f32
    %max3A_20 = vector.broadcast %max3A : f32 to vector<10112x16xf32>
    %max3A_21 = arith.maximumf %add3A_19, %max3A_20 : vector<10112x16xf32>
    %div3A = arith.divf %add3A, %max3A_21 : vector<10112x16xf32>
    %get3A_22 = arith.constant 0 : index
    %get3A_23 = arith.constant 0 : index
    %get3A_24 = vector.load %arg2[%get3A_22, %get3A_23] : memref<1x16xf32, #tpu.memory_space<vmem>>, vector<1x16xf32>
    %add3A_25 = vector.broadcast %get3A_24 : vector<1x16xf32> to vector<10112x16xf32>
    %add3A_26 = arith.addf %div3A, %add3A_25 : vector<10112x16xf32>
    %swap3A = arith.constant 0 : index
    %swap3A_27 = arith.constant 0 : index
    %swap3A_28 = vector.load %arg3[%swap3A, %swap3A_27] : memref<10112x16xf32, #tpu.memory_space<vmem>>, vector<10112x16xf32>
    tpu.vector_store %arg3[%swap3A, %swap3A_27], %add3A_26 {strides = array<i32>} : memref<10112x16xf32, #tpu.memory_space<vmem>>, vector<10112x16xf32>,
    return
  }
}

</mosaic_0001>

<sc_bundles>
// kernel: kernel.6.cloned.1.call-start
scs
__scs_entry_jumppad:
0x0: {  	(pc) =	sbr.rel $0x88, $3  }
0x1: {  	(tag) =	ssettag $0x0;
	lr =	simm.s32 $0x1  }
0x2: {  	[smem:$0x3F9B] =	sst lr;
	_ =	strace $0xD0000000  }
0x3: {  	_ = 	snop  }
0x4: {  	_ = 	snop  }
0x5: {  	_ = 	snop  }
0x6: {  	_ = 	snop  }
0x7: {  	_ = 	snop  }
__scs_overlays_trampoline_lowered:
0x8: {  	[smem:$0x3FAA] =	sst s0  }
0x9: {  	[smem:$0x3FAB] =	sst s1  }
0xa: {  	[smem:$0x3FAC] =	sst s2  }
0xb: {  	[smem:$0x3FAD] =	sst s3  }
0xc: {  	[smem:$0x3FAE] =	sst s4  }
0xd: {  	[smem:$0x3FAF] =	sst s5  }
0xe: {  	[smem:$0x3FB0] =	sst s6  }
0xf: {  	[smem:$0x3FB1] =	sst s7  }
0x10: {  	[smem:$0x3FB2] =	sst s8  }
0x11: {  	[smem:$0x3FB3] =	sst s9;
	s0 =	simm.s32 @!p0 $0x0  }
0x12: {  	s1 =	sld [smem:$0x3F99];
	s0 =	simm.s32 @p0 $0x1  }
0x13: {  	[smem:$0x3FB4] =	sst s0;
	s0 =	simm.s32 @!p1 $0x0  }
0x14: {  	s2 =	sld [smem:$0x3F98];
	s0 =	simm.s32 @p1 $0x1  }
0x15: {  	[smem:$0x3FB5] =	sst s0;
	s0 =	simm.s32 @!p2 $0x0  }
0x16: {  	s3 =	sld [smem:$0x3FDB];
	s0 =	simm.s32 @p2 $0x1  }
0x17: {  	s4 =	simm.s32 $0x1BF5;
	[smem:$0x3FB7] =	sst s0  }
0x18: {  	s0 =	sld [smem:$0x3F9A];
	_ =	swait.ge [sflag:s4], $0x0  }
0x19: {  	s7 =	sld [smem:$0x3F9B]  }
0x1a: {  	s8 =	sadd.s32 $0xFFFFE003, lr  }
0x1b: {  	s9 =	sadd.s32 $0xFFFFFEF7, lr;
	s5 =	simm.s32 $0xFFFFFFFF;
	p2 =	slt.u32 s8, $0xFFFFF086  }
0x1c: {  	p1 =	slt.u32 s9, $0xF7A;
	s5 =	simm.s32 @!p2 $0x0  }
0x1d: {  	s5 =	simm.s32 @p1 $0x1;
	p0 =	seq.s32 s7, s2  }
0x1e: {  	s7 =	smul.u32 @!p0 $0xF7A, s2;
	p2 =	seq.s32 @!p0 s5, $0x0  }
0x1f: {  	s9 =	smul.u32 $0xF7A, s1;
	s8 =	simm.s32 @!p0 $0x1BF5;
	p2 =	por !p2, p0  }
0x20: {  	[sflag:s8] =	ssyncset.s32 @!p0 $0xFFFFF086;
	s6 =	sadd.s32 @!p0 s3, s7;
	s7 =	simm.s32 @!p0 $0x108  }
0x21: {  	s3 =	sadd.s32 s3, s9;
	s6 =	sadd.s32 @!p0 $0x88, s6;
	s7 =	simm.s32 @p2 $0x1082  }
0x22: {  	[simem:s7], [sflag:s8] =	dma.local @!p0 [hbm:s6], $0xF7A  }
0x23: {  	s9 =	sor.u32 $0xD0000000, s2;
	s6 =	simm.s32 $0x108;
	_ =	swait.ge @!p0 [sflag:s8], $0x0  }
0x24: {  	s3 =	sadd.s32 $0x88, s3;
	s6 =	simm.s32 @!p1 $0x1082;
	[sflag:s4] =	ssyncset.s32 $0xFFFFF086  }
0x25: {  	[simem:s6], [sflag:s4] =	dma.local [hbm:s3], $0xF7A  }
0x26: {  	[smem:$0x3F9B] =	sst s1;
	(tag) =	ssettag s2;
	_ =	strace s9  }
0x27: {  	s1 =	sld [smem:$0x3FAB]  }
0x28: {  	s2 =	sld [smem:$0x3FAC]  }
0x29: {  	s4 =	sld [smem:$0x3FAE]  }
0x2a: {  	p0 =	seq.s32 s5, $0x0;
	s5 =	sld [smem:$0x3FAF]  }
0x2b: {  	s6 =	sld [smem:$0x3FB0]  }
0x2c: {  	s7 =	sld [smem:$0x3FB1]  }
0x2d: {  	s3 =	simm.s32 $0x108;
	s8 =	sld [smem:$0x3FB2]  }
0x2e: {  	s3 =	simm.s32 @!p0 $0x1082;
	s9 =	sld [smem:$0x3FB3]  }
0x2f: {  	lr =	sadd.s32 s0, s3;
	s0 =	sld [smem:$0x3FAA]  }
0x30: {  	s3 =	sld [smem:$0x3FAD]  }
0x31: {  	[smem:$0x3FB6] =	sst s10  }
0x32: {  	s10 =	sld [smem:$0x3FB4];
	_ =	sdelay $0x3  }
0x33: {  	p0 =	seq.s32 s10, $0x1;
	s10 =	sld [smem:$0x3FB6];
	_ =	sdelay $0x3  }
0x34: {  	[smem:$0x3FB6] =	sst s10  }
0x35: {  	s10 =	sld [smem:$0x3FB5];
	_ =	sdelay $0x3  }
0x36: {  	p1 =	seq.s32 s10, $0x1;
	s10 =	sld [smem:$0x3FB6];
	_ =	sdelay $0x3  }
0x37: {  	[smem:$0x3FB6] =	sst s10  }
0x38: {  	s10 =	sld [smem:$0x3FB7]  }
0x39: {  	_ = 	snop;
	(pc) =	sbr.ind lr, $3  }
0x3a: {  	_ = 	snop  }
0x3b: {  	_ = 	snop  }
0x3c: {  	p2 =	seq.s32 s10, $0x1;
	s10 =	sld [smem:$0x3FB6]  }
0x3d: {  	_ =	shalt  }
0x3e: {  	_ =	shalt  }
0x3f: {  	_ =	shalt  }
0x40: {  	_ =	shalt  }
0x41: {  	_ =	shalt  }
0x42: {  	_ =	shalt  }
0x43: {  	_ =	shalt  }
0x44: {  	_ =	shalt  }
0x45: {  	_ =	shalt  }
0x46: {  	_ =	shalt  }
0x47: {  	_ =	shalt  }
0x48: {  	_ =	shalt  }
0x49: {  	_ =	shalt  }
0x4a: {  	_ =	shalt  }
0x4b: {  	_ =	shalt  }
0x4c: {  	_ =	shalt  }
0x4d: {  	_ =	shalt  }
0x4e: {  	_ =	shalt  }
0x4f: {  	_ =	shalt  }
0x50: {  	_ =	shalt  }
0x51: {  	_ =	shalt  }
0x52: {  	_ =	shalt  }
0x53: {  	_ =	shalt  }
0x54: {  	_ =	shalt  }
0x55: {  	_ =	shalt  }
0x56: {  	_ =	shalt  }
0x57: {  	_ =	shalt  }
0x58: {  	_ =	shalt  }
0x59: {  	_ =	shalt  }
0x5a: {  	_ =	shalt  }
0x5b: {  	_ =	shalt  }
0x5c: {  	_ =	shalt  }
0x5d: {  	_ =	shalt  }
0x5e: {  	_ =	shalt  }
0x5f: {  	_ =	shalt  }
0x60: {  	_ =	shalt  }
0x61: {  	_ =	shalt  }
0x62: {  	_ =	shalt  }
0x63: {  	_ =	shalt  }
0x64: {  	_ =	shalt  }
0x65: {  	_ =	shalt  }
0x66: {  	_ =	shalt  }
0x67: {  	_ =	shalt  }
0x68: {  	_ =	shalt  }
0x69: {  	_ =	shalt  }
0x6a: {  	_ =	shalt  }
0x6b: {  	_ =	shalt  }
0x6c: {  	_ =	shalt  }
0x6d: {  	_ =	shalt  }
0x6e: {  	_ =	shalt  }
0x6f: {  	_ =	shalt  }
0x70: {  	_ =	shalt  }
0x71: {  	_ =	shalt  }
0x72: {  	_ =	shalt  }
0x73: {  	_ =	shalt  }
0x74: {  	_ =	shalt  }
0x75: {  	_ =	shalt  }
0x76: {  	_ =	shalt  }
0x77: {  	_ =	shalt  }
0x78: {  	_ =	shalt  }
0x79: {  	_ =	shalt  }
0x7a: {  	_ =	shalt  }
0x7b: {  	_ =	shalt  }
0x7c: {  	_ =	shalt  }
0x7d: {  	_ =	shalt  }
0x7e: {  	_ =	shalt  }
0x7f: {  	_ =	shalt  }
0x80: {  	_ =	shalt  }
0x81: {  	_ =	shalt  }
0x82: {  	_ =	shalt  }
0x83: {  	_ =	shalt  }
0x84: {  	_ =	shalt  }
0x85: {  	_ =	shalt  }
0x86: {  	_ =	shalt  }
0x87: {  	_ =	shalt  }
.Lfunc_end0:
.L_simem_size_0:
called_computation_lowered:
.L_overlay_start_0:
0x88: {  	s2 =	sld [smem:$0x3FD9]  }
0x89: {  	s3 =	sld [smem:$0x3FFE];
	_ =	sdelay $0x1  }
0x8a: {  	s1 =	srdreg.scid  }
0x8b: {  	s0 =	sand.u32 $0x1, s1  }
0x8c: {  	s17 =	sshll.u32 s0, $0xA;
	s2 =	sadd.s32 s3, s2  }
0x8d: {  	s2 =	sadd.s32 s2, s17  }
0x8e: {  	[smem:$0x3FC2] =	sst s2  }
0x8f: {  	_ = 	snop  }
0x90: {  	s2 =	sld [smem:$0x3FD0];
	(tm) =	ssettm $0x1  }
0x91: {  	s18 =	sld [smem:$0x3FFB];
	_ =	sdelay $0x3  }
0x92: {  	_ =	strace s18  }
0x93: {  	s3 =	sld [smem:$0x3FFC];
	_ =	sdelay $0x3  }
0x94: {  	_ =	strace s3  }
0x95: {  	s3 =	sld [smem:$0x3FFD];
	_ =	sdelay $0x3  }
0x96: {  	_ =	strace s3  }
0x97: {  	_ =	strace $0x8FFFFFFF  }
0x98: {  	s19 =	sld [smem:$0x3FDB];
	_ =	sdelay $0x1  }
0x99: {  	s4 =	simm.s32 $_scs_section_size  }
0x9a: {  	s5 =	simm.s32 $_size__tile_overlayer_lowered;
	s6 =	simm.s32 $_tile_overlayer_lowered  }
0x9b: {  	s22 =	simm.s32 $0x1BFF;
	s21 =	sshll.u32 s6, $0x1;
	s3 =	sadd.s32 s4, s19  }
0x9c: {  	s7 =	simm.s32 $0x0;
	s20 =	sshll.u32 s5, $0x1;
	s5 =	sadd.s32 s21, s3  }
0x9d: {  	[timem:s7], [sflag:s22] =	dma.local [hbm:s5], s20  }
0x9e: {  	_ =	swait.ge [sflag:s22], s20  }
0x9f: {  	s4 =	ssub.s32 $0x0, s20;
	[sflag:s22] =	ssyncset.done $0x0  }
0xa0: {  	[sflag:s22] =	ssyncadd.s32 s4;
	_ =	sdelay $0x1  }
0xa1: {  	s23 =	simm.s32 $0x1B8B  }
0xa2: {  	_ =	swait.ge [sflag:s23], $0x1  }
0xa3: {  	[sflag:s23] =	ssyncset.done $0x0  }
0xa4: {  	s25 =	simm.s32 $0x1B8E;
	s24 =	sld [smem:$0x3FFE];
	[sflag:s23] =	ssyncadd.s32 $0xFFFFFFFF  }
0xa5: {  	s26 =	simm.s32 $execute0_lowered;
	[smem:$0x3FD2] =	sst s25  }
0xa6: {  	s5 =	sshll.u32 s26, $0x1;
	_ =	strace $0x80000046;
	[dreg:$0x1] =	wrdreg $0xFFFFFFFF  }
0xa7: {  	s28 =	simm.s32 $_size_execute0_lowered;
	s3 =	sadd.s32 s3, s5;
	[dreg:$0x0] =	wrdreg $0x0  }
0xa8: {  	s5 =	sshll.u32 s28, $0x1;
	[dreg:$0x2] =	wrdreg s3  }
0xa9: {  	[dreg:$0x3] =	wrdreg s5  }
0xaa: {  	[dreg:$0x4] =	wrdreg $0xC0  }
0xab: {  	_ =	task [dreg:s7], $0x5FFFF  }
0xac: {  	[dreg:$0x1] =	wrdreg $0xFFFFFFFF  }
0xad: {  	[dreg:$0x0] =	wrdreg $0x60  }
0xae: {  	[dreg:$0x2] =	wrdreg s24  }
0xaf: {  	[dreg:$0x3] =	wrdreg s2  }
0xb0: {  	[dreg:$0x4] =	wrdreg $0x170000  }
0xb1: {  	[dreg:$0x5] =	wrdreg $0x9  }
0xb2: {  	_ =	task.clear_ibuf [dreg:s7], $0x6FFFF;
	_ =	strace $0x90000046  }
0xb3: {  	s29 =	simm.s32 $0x9;
	_ =	strace $0x80000048  }
0xb4: {  	_ =	swait.ge [sflag:s29], $0x1  }
0xb5: {  	[sflag:s29] =	ssyncadd.s32 $0xFFFFFFFF  }
0xb6: {  	_ =	strace $0x90000048  }
0xb7: {  	_ =	sfence  }
0xb8: {  	s30 =	sld [smem:$0x0];
	_ =	sdelay $0x2  }
0xb9: {  	s31 =	sshll.u32 s1, $0xD;
	s1 =	sshrl.u32 s1, $0x2  }
0xba: {  	s3 =	sand.u32 $0x4000, s31;
	s1 =	sadd.s32 s1, s30  }
0xbb: {  	s0 =	sor.u32 s3, s0;
	s1 =	sshll.u32 s1, $0x11  }
0xbc: {  	s0 =	sor.u32 s1, s0  }
0xbd: {  	s0 =	sadd.s32 $0x8F2B, s0  }
0xbe: {  	[sflag:s0] =	ssyncadd.remote.s32 $0x1  }
0xbf: {  	_ =	sfence.sel $0xFFFF  }
0xc0: {  	[dreg:$0x0] =	wrdreg $0xFFFFFFFF;
	(pc) =	sbr.abs _section_cstart, $3  }
0xc1: {  	[dreg:$0x1] =	wrdreg $0xFFFFFFFF  }
0xc2: {  	_ =	task.clear_ibuf [dreg:s7], $0x2FFFF;
	_ =	strace $0x9FFFFFFF  }
0xc3: {  	(tm) =	ssettm $0x7FFFFFFF  }
tec
execute0_lowered:
.L_overlay_start_1:
0x0: {  	(tag) =	ssettag $0x1  }
0x1: {  	s6 =	rddreg [dreg:$0x0]  }
0x2: {  	s1 =	srdreg.scid;
	s7 =	rddreg [dreg:$0x1]  }
0x3: {  	s0 =	stileid.u32;
	s2 =	rddreg [dreg:$0x2];
	s3 =	simm.s32 $0x0  }
0x4: {  	s15 =	simm.s32 $0x1400;
	s16 =	simm.s32 $0x16800;
	s17 =	simm.s32 $0x80  }
0x5: {  	s18 =	simm.s32 $0x1;
	s19 =	simm.s32 $0x2;
	s20 =	simm.s32 $0x2800  }
0x6: {  	s21 =	simm.s32 $0x0;
	s8 =	sand.u32 $0x1, s1;
	s1 =	rddreg [dreg:$0x3]  }
0x7: {  	s29 =	sshll.u32 s0, $0x1;
	[smem:$0x7FF] =	sst s3;
	s10 =	smul.u32 $0x2780, s0  }
0x8: {  	s4 =	sadd.s32 $0x1C00, s6;
	s5 =	sor.u32 s8, s29;
	s11 =	smul.u32 $0x27800, s8  }
0x9: {  	s31 =	sshll.u32 s0, $0x6;
	_ =	strace $0x80000047;
	s9 =	smul.u32 $0x280, s5  }
0xa: {  	s8 =	ssub.s32 $0x2, s8;
	s12 =	smul.u32 $0x2800, s5;
	s5 =	sadd.s32 $0x10C00, s6  }
0xb: {  	s13 =	sshrl.u32 s8, $0x1;
	s30 =	sshrl.u32 s10, $0x3;
	s11 =	sadd.s32 s10, s11  }
0xc: {  	s14 =	sadd.s32 s10, s2;
	s13 =	ssub.s32 s8, s13;
	s11 =	sshrl.u32 s11, $0x3  }
0xd: {  	s9 =	sadd.s32 s9, s6;
	s12 =	sadd.s32 s12, s6;
	s11 =	sadd.s32 s11, s6  }
0xe: {  	s6 =	sadd.s32 s7, s30;
	s7 =	sor.u32 $0x1C03, s31;
	s8 =	sadd.s32 $0xBC00, s9  }
0xf: {  	s9 =	sadd.s32 $0x6C00, s9;
	s10 =	sadd.s32 $0x10E00, s12;
	s12 =	smax.u32 s13, $0x1  }
0x10: {  	s13 =	sshrl.u32 s14, $0x3;
	s14 =	simm.s32 $0x3;
	s11 =	sadd.s32 $0x60E00, s11  }
.LBB2_1:
0x11: {  	[spmem:s13], [sflag:s7] =	dma.local [hbm:s6], $0x4F0  }
0x12: {  	_ =	swait.ge [sflag:s14], $0x4F0  }
0x13: {  	[sflag:s14] =	ssyncset.done $0x0  }
0x14: {  	[sflag:s14] =	ssyncadd.s32 $0xFFFFFB10  }
0x15: {  	[tilespmem:s3], [sflag:$0x3] =	stream.linear.gather [hbm4b:s8+s3], $0x1400, $0x38;
	[tilespmem:$0x19780] =	vst v63  }
0x16: {  	_ =	swait.ge [sflag:s14], $0x1400  }
0x17: {  	[sflag:s14] =	ssyncset.done $0x0  }
0x18: {  	[sflag:s14] =	ssyncadd.s32 $0xFFFFEC00  }
0x19: {  	[tilespmem:s15], [sflag:$0x3] =	stream.linear.gather [hbm4b:s9+s3], $0x1400, $0x38;
	[tilespmem:$0x19780] =	vst v63  }
0x1a: {  	_ =	swait.ge [sflag:s14], $0x1400  }
0x1b: {  	[sflag:s14] =	ssyncset.done $0x0  }
0x1c: {  	[sflag:s14] =	ssyncadd.s32 $0xFFFFEC00  }
0x1d: {  	[tilespmem:s16], [sflag:$0x3] =	stream.linear.gather [hbm4b:s5+s3], $0x800, $0x38;
	[tilespmem:$0x19780] =	vst v63  }
0x1e: {  	_ =	swait.ge [sflag:s14], $0x800  }
0x1f: {  	[sflag:s14] =	ssyncset.done $0x0  }
0x20: {  	[sflag:s14] =	ssyncadd.s32 $0xFFFFF800  }
0x21: {  	s22 =	simm.s32 $0x0;
	[bflag:$0x0] =	sbarrier.arrive $0xFFFF  }
0x22: {  	[tilespmem:s20], [sflag:$0x1] =	stream.indirect.gather [hbm4b:s4+s17], $0x10, s22, s17, $0xb8;
	[tilespmem:$0x19780] =	vst v63  }
0x23: {  	s24 =	simm.s32 $0x1400;
	s23 =	simm.s32 $0x3000;
	s22 =	simm.s32 $0x200  }
.LBB2_2:
0x24: {  	[spmem:s2] =	stream.indirect.scatter.add.f32 [tilespmem:s16], [sflag:$0x2], $0x10, s24, s17, $0xb8;
	[tilespmem:$0x19780] =	vst v63  }
0x25: {  	s24 =	smov.u32 s22;
	p0 =	sne.s32 s22, $0x4E00  }
.Ltmp0:
0x26: {  	s22 =	sadd.s32 $0x200, s22;
	(pc) =	sbr.rel @p0 .LBB2_2-.Ltmp0, $4  }
0x27: {  	_ = 	snop  }
0x28: {  	s24 =	sshra.s32 s24, $0x2  }
0x29: {  	[tilespmem:s23], [sflag:$0x1] =	stream.indirect.gather [hbm4b:s4+s17], $0x10, s24, s17, $0xb8;
	[tilespmem:$0x19780] =	vst v63  }
0x2a: {  	s24 =	sadd.s32 $0x1400, s24;
	s23 =	sadd.s32 $0x800, s23  }
0x2b: {  	[spmem:s2] =	stream.indirect.scatter.add.f32 [tilespmem:s16], [sflag:$0x2], $0x10, s24, s17, $0xb8;
	[tilespmem:$0x19780] =	vst v63  }
0x2c: {  	_ =	swait.ge [sflag:s18], $0x800  }
0x2d: {  	[sflag:s18] =	ssyncset.done $0x0  }
0x2e: {  	[sflag:s18] =	ssyncadd.s32 $0xFFFFF800  }
0x2f: {  	_ =	swait.ge [sflag:s19], $0x800  }
0x30: {  	s22 =	simm.s32 $0x27;
	[sflag:s19] =	ssyncset.done $0x0  }
.LBB2_4:
0x31: {  	p0 =	sne.s32 s22, $0x1;
	s22 =	sadd.s32 $0xFFFFFFFF, s22;
	[sflag:s19] =	ssyncadd.s32 $0xFFFFF800  }
.Ltmp1:
0x32: {  	_ =	swait.ge [sflag:s18], $0x800;
	(pc) =	sbr.rel @p0 .LBB2_4-.Ltmp1, $4  }
0x33: {  	[sflag:s18] =	ssyncset.done $0x0  }
0x34: {  	[sflag:s18] =	ssyncadd.s32 $0xFFFFF800  }
0x35: {  	_ =	swait.ge [sflag:s19], $0x800  }
0x36: {  	[sflag:s19] =	ssyncset.done $0x0  }
0x37: {  	[sflag:s19] =	ssyncadd.s32 $0xFFFFF800  }
0x38: {  	[hbm4b:s10+s3] =	stream.linear.scatter [tilespmem:s20], [sflag:$0x3], $0x14000, $0x38;
	[tilespmem:$0x19780] =	vst v63  }
0x39: {  	_ =	swait.ge [sflag:s14], $0x14000  }
0x3a: {  	s21 =	sadd.s32 $0x1, s21;
	[sflag:s14] =	ssyncset.done $0x0  }
0x3b: {  	p0 =	sne.s32 s21, s12;
	[sflag:s14] =	ssyncadd.s32 $0xFFFEC000  }
.Ltmp2:
0x3c: {  	[bflag:$0x0] =	sbarrier.arrive $0xFFFF;
	(pc) =	sbr.rel @p0 .LBB2_1-.Ltmp2, $4  }
0x3d: {  	[hbm:s11], [sflag:s7] =	dma.local [spmem:s13], $0x4F0  }
0x3e: {  	_ =	swait.ge [sflag:s14], $0x4F0  }
0x3f: {  	[sflag:s14] =	ssyncset.done $0x0  }
0x40: {  	[sflag:s14] =	ssyncadd.s32 $0xFFFFFB10  }
0x41: {  	_ =	sfence.sel $0x180000  }
0x42: {  	[bflag:$0x0] =	sbarrier.arrive $0xFFFF  }
0x43: {  	p0 =	sne.s32 s0, $0x0;
	_ =	strace $0x90000047  }
0x44: {  	s0 =	sadd.s32 @!p0 $0x100000, s1;
	[bflag:$0x2] =	sbarrier.arrive $0xFFFF  }
0x45: {  	[sflag:s0] =	ssyncadd.tile.s32 @!p0 $0x1;
	_ =	shalt  }
.Lfunc_end2:
_tile_overlayer_lowered:
.L_overlay_start_2:
0x46: {  	(tag) =	ssettag $0x2  }
0x47: {  	s0 =	rddreg [dreg:$0x0];
	s2 =	stileid.u32  }
0x48: {  	s1 =	rddreg [dreg:$0x1];
	p0 =	sne.s32 s2, $0x0  }
0x49: {  	s3 =	rddreg [dreg:$0x2];
	[bflag:$0x3] =	sbarrier.arrive $0xFFFF;
	s2 =	simm.s32 @!p0 $0x1C03  }
0x4a: {  	[timem:s3], [sflag:s2] =	dma.local @!p0 [hbm:s0], s1  }
0x4b: {  	s0 =	simm.s32 @!p0 $0x3  }
0x4c: {  	_ =	swait.ge @!p0 [sflag:s0], s1  }
0x4d: {  	s1 =	ssub.s32 @!p0 $0x0, s1;
	[sflag:s0] =	ssyncset.done @!p0 $0x0  }
0x4e: {  	[sflag:s0] =	ssyncadd.s32 @!p0 s1  }
0x4f: {  	[bflag:$0x3] =	sbarrier.arrive $0xFFFF  }
0x50: {  	_ =	shalt  }

// kernel: kernel.9.cloned.1.call-start
scs
__scs_entry_jumppad:
0x0: {  	(pc) =	sbr.rel $0x88, $3  }
0x1: {  	(tag) =	ssettag $0x0;
	lr =	simm.s32 $0x1  }
0x2: {  	[smem:$0x3F9B] =	sst lr;
	_ =	strace $0xD0000000  }
0x3: {  	_ = 	snop  }
0x4: {  	_ = 	snop  }
0x5: {  	_ = 	snop  }
0x6: {  	_ = 	snop  }
0x7: {  	_ = 	snop  }
__scs_overlays_trampoline_lowered:
0x8: {  	[smem:$0x3FAA] =	sst s0  }
0x9: {  	[smem:$0x3FAB] =	sst s1  }
0xa: {  	[smem:$0x3FAC] =	sst s2  }
0xb: {  	[smem:$0x3FAD] =	sst s3  }
0xc: {  	[smem:$0x3FAE] =	sst s4  }
0xd: {  	[smem:$0x3FAF] =	sst s5  }
0xe: {  	[smem:$0x3FB0] =	sst s6  }
0xf: {  	[smem:$0x3FB1] =	sst s7  }
0x10: {  	[smem:$0x3FB2] =	sst s8  }
0x11: {  	[smem:$0x3FB3] =	sst s9;
	s0 =	simm.s32 @!p0 $0x0  }
0x12: {  	s1 =	sld [smem:$0x3F99];
	s0 =	simm.s32 @p0 $0x1  }
0x13: {  	[smem:$0x3FB4] =	sst s0;
	s0 =	simm.s32 @!p1 $0x0  }
0x14: {  	s2 =	sld [smem:$0x3F98];
	s0 =	simm.s32 @p1 $0x1  }
0x15: {  	[smem:$0x3FB5] =	sst s0;
	s0 =	simm.s32 @!p2 $0x0  }
0x16: {  	s3 =	sld [smem:$0x3FDB];
	s0 =	simm.s32 @p2 $0x1  }
0x17: {  	s4 =	simm.s32 $0x1BF5;
	[smem:$0x3FB7] =	sst s0  }
0x18: {  	s0 =	sld [smem:$0x3F9A];
	_ =	swait.ge [sflag:s4], $0x0  }
0x19: {  	s7 =	sld [smem:$0x3F9B]  }
0x1a: {  	s8 =	sadd.s32 $0xFFFFE003, lr  }
0x1b: {  	s9 =	sadd.s32 $0xFFFFFEF7, lr;
	s5 =	simm.s32 $0xFFFFFFFF;
	p2 =	slt.u32 s8, $0xFFFFF086  }
0x1c: {  	p1 =	slt.u32 s9, $0xF7A;
	s5 =	simm.s32 @!p2 $0x0  }
0x1d: {  	s5 =	simm.s32 @p1 $0x1;
	p0 =	seq.s32 s7, s2  }
0x1e: {  	s7 =	smul.u32 @!p0 $0xF7A, s2;
	p2 =	seq.s32 @!p0 s5, $0x0  }
0x1f: {  	s9 =	smul.u32 $0xF7A, s1;
	s8 =	simm.s32 @!p0 $0x1BF5;
	p2 =	por !p2, p0  }
0x20: {  	[sflag:s8] =	ssyncset.s32 @!p0 $0xFFFFF086;
	s6 =	sadd.s32 @!p0 s3, s7;
	s7 =	simm.s32 @!p0 $0x108  }
0x21: {  	s3 =	sadd.s32 s3, s9;
	s6 =	sadd.s32 @!p0 $0x88, s6;
	s7 =	simm.s32 @p2 $0x1082  }
0x22: {  	[simem:s7], [sflag:s8] =	dma.local @!p0 [hbm:s6], $0xF7A  }
0x23: {  	s9 =	sor.u32 $0xD0000000, s2;
	s6 =	simm.s32 $0x108;
	_ =	swait.ge @!p0 [sflag:s8], $0x0  }
0x24: {  	s3 =	sadd.s32 $0x88, s3;
	s6 =	simm.s32 @!p1 $0x1082;
	[sflag:s4] =	ssyncset.s32 $0xFFFFF086  }
0x25: {  	[simem:s6], [sflag:s4] =	dma.local [hbm:s3], $0xF7A  }
0x26: {  	[smem:$0x3F9B] =	sst s1;
	(tag) =	ssettag s2;
	_ =	strace s9  }
0x27: {  	s1 =	sld [smem:$0x3FAB]  }
0x28: {  	s2 =	sld [smem:$0x3FAC]  }
0x29: {  	s4 =	sld [smem:$0x3FAE]  }
0x2a: {  	p0 =	seq.s32 s5, $0x0;
	s5 =	sld [smem:$0x3FAF]  }
0x2b: {  	s6 =	sld [smem:$0x3FB0]  }
0x2c: {  	s7 =	sld [smem:$0x3FB1]  }
0x2d: {  	s3 =	simm.s32 $0x108;
	s8 =	sld [smem:$0x3FB2]  }
0x2e: {  	s3 =	simm.s32 @!p0 $0x1082;
	s9 =	sld [smem:$0x3FB3]  }
0x2f: {  	lr =	sadd.s32 s0, s3;
	s0 =	sld [smem:$0x3FAA]  }
0x30: {  	s3 =	sld [smem:$0x3FAD]  }
0x31: {  	[smem:$0x3FB6] =	sst s10  }
0x32: {  	s10 =	sld [smem:$0x3FB4];
	_ =	sdelay $0x3  }
0x33: {  	p0 =	seq.s32 s10, $0x1;
	s10 =	sld [smem:$0x3FB6];
	_ =	sdelay $0x3  }
0x34: {  	[smem:$0x3FB6] =	sst s10  }
0x35: {  	s10 =	sld [smem:$0x3FB5];
	_ =	sdelay $0x3  }
0x36: {  	p1 =	seq.s32 s10, $0x1;
	s10 =	sld [smem:$0x3FB6];
	_ =	sdelay $0x3  }
0x37: {  	[smem:$0x3FB6] =	sst s10  }
0x38: {  	s10 =	sld [smem:$0x3FB7]  }
0x39: {  	_ = 	snop;
	(pc) =	sbr.ind lr, $3  }
0x3a: {  	_ = 	snop  }
0x3b: {  	_ = 	snop  }
0x3c: {  	p2 =	seq.s32 s10, $0x1;
	s10 =	sld [smem:$0x3FB6]  }
0x3d: {  	_ =	shalt  }
0x3e: {  	_ =	shalt  }
0x3f: {  	_ =	shalt  }
0x40: {  	_ =	shalt  }
0x41: {  	_ =	shalt  }
0x42: {  	_ =	shalt  }
0x43: {  	_ =	shalt  }
0x44: {  	_ =	shalt  }
0x45: {  	_ =	shalt  }
0x46: {  	_ =	shalt  }
0x47: {  	_ =	shalt  }
0x48: {  	_ =	shalt  }
0x49: {  	_ =	shalt  }
0x4a: {  	_ =	shalt  }
0x4b: {  	_ =	shalt  }
0x4c: {  	_ =	shalt  }
0x4d: {  	_ =	shalt  }
0x4e: {  	_ =	shalt  }
0x4f: {  	_ =	shalt  }
0x50: {  	_ =	shalt  }
0x51: {  	_ =	shalt  }
0x52: {  	_ =	shalt  }
0x53: {  	_ =	shalt  }
0x54: {  	_ =	shalt  }
0x55: {  	_ =	shalt  }
0x56: {  	_ =	shalt  }
0x57: {  	_ =	shalt  }
0x58: {  	_ =	shalt  }
0x59: {  	_ =	shalt  }
0x5a: {  	_ =	shalt  }
0x5b: {  	_ =	shalt  }
0x5c: {  	_ =	shalt  }
0x5d: {  	_ =	shalt  }
0x5e: {  	_ =	shalt  }
0x5f: {  	_ =	shalt  }
0x60: {  	_ =	shalt  }
0x61: {  	_ =	shalt  }
0x62: {  	_ =	shalt  }
0x63: {  	_ =	shalt  }
0x64: {  	_ =	shalt  }
0x65: {  	_ =	shalt  }
0x66: {  	_ =	shalt  }
0x67: {  	_ =	shalt  }
0x68: {  	_ =	shalt  }
0x69: {  	_ =	shalt  }
0x6a: {  	_ =	shalt  }
0x6b: {  	_ =	shalt  }
0x6c: {  	_ =	shalt  }
0x6d: {  	_ =	shalt  }
0x6e: {  	_ =	shalt  }
0x6f: {  	_ =	shalt  }
0x70: {  	_ =	shalt  }
0x71: {  	_ =	shalt  }
0x72: {  	_ =	shalt  }
0x73: {  	_ =	shalt  }
0x74: {  	_ =	shalt  }
0x75: {  	_ =	shalt  }
0x76: {  	_ =	shalt  }
0x77: {  	_ =	shalt  }
0x78: {  	_ =	shalt  }
0x79: {  	_ =	shalt  }
0x7a: {  	_ =	shalt  }
0x7b: {  	_ =	shalt  }
0x7c: {  	_ =	shalt  }
0x7d: {  	_ =	shalt  }
0x7e: {  	_ =	shalt  }
0x7f: {  	_ =	shalt  }
0x80: {  	_ =	shalt  }
0x81: {  	_ =	shalt  }
0x82: {  	_ =	shalt  }
0x83: {  	_ =	shalt  }
0x84: {  	_ =	shalt  }
0x85: {  	_ =	shalt  }
0x86: {  	_ =	shalt  }
0x87: {  	_ =	shalt  }
.Lfunc_end0:
.L_simem_size_0:
called_computation.1_lowered:
.L_overlay_start_0:
0x88: {  	s2 =	sld [smem:$0x3FD9]  }
0x89: {  	s3 =	sld [smem:$0x3FFE];
	_ =	sdelay $0x1  }
0x8a: {  	s1 =	srdreg.scid  }
0x8b: {  	s0 =	sand.u32 $0x1, s1  }
0x8c: {  	s17 =	sshll.u32 s0, $0xA;
	s2 =	sadd.s32 s3, s2  }
0x8d: {  	s2 =	sadd.s32 s2, s17  }
0x8e: {  	[smem:$0x3FC2] =	sst s2  }
0x8f: {  	_ = 	snop  }
0x90: {  	s2 =	sld [smem:$0x3FD0];
	(tm) =	ssettm $0x1  }
0x91: {  	s18 =	sld [smem:$0x3FFB];
	_ =	sdelay $0x3  }
0x92: {  	_ =	strace s18  }
0x93: {  	s3 =	sld [smem:$0x3FFC];
	_ =	sdelay $0x3  }
0x94: {  	_ =	strace s3  }
0x95: {  	s3 =	sld [smem:$0x3FFD];
	_ =	sdelay $0x3  }
0x96: {  	_ =	strace s3  }
0x97: {  	_ =	strace $0x8FFFFFFF  }
0x98: {  	s19 =	sld [smem:$0x3FDB];
	_ =	sdelay $0x1  }
0x99: {  	s4 =	simm.s32 $_scs_section_size  }
0x9a: {  	s5 =	simm.s32 $_size__tile_overlayer_lowered;
	s6 =	simm.s32 $_tile_overlayer_lowered  }
0x9b: {  	s22 =	simm.s32 $0x1BFF;
	s21 =	sshll.u32 s6, $0x1;
	s3 =	sadd.s32 s4, s19  }
0x9c: {  	s7 =	simm.s32 $0x0;
	s20 =	sshll.u32 s5, $0x1;
	s5 =	sadd.s32 s21, s3  }
0x9d: {  	[timem:s7], [sflag:s22] =	dma.local [hbm:s5], s20  }
0x9e: {  	_ =	swait.ge [sflag:s22], s20  }
0x9f: {  	s4 =	ssub.s32 $0x0, s20;
	[sflag:s22] =	ssyncset.done $0x0  }
0xa0: {  	[sflag:s22] =	ssyncadd.s32 s4;
	_ =	sdelay $0x1  }
0xa1: {  	s23 =	simm.s32 $0x1B8B  }
0xa2: {  	_ =	swait.ge [sflag:s23], $0x1  }
0xa3: {  	[sflag:s23] =	ssyncset.done $0x0  }
0xa4: {  	s25 =	simm.s32 $0x1B8E;
	s24 =	sld [smem:$0x3FFE];
	[sflag:s23] =	ssyncadd.s32 $0xFFFFFFFF  }
0xa5: {  	s26 =	simm.s32 $execute0_lowered;
	[smem:$0x3FD2] =	sst s25  }
0xa6: {  	s5 =	sshll.u32 s26, $0x1;
	_ =	strace $0x80000049;
	[dreg:$0x1] =	wrdreg $0xFFFFFFFF  }
0xa7: {  	s28 =	simm.s32 $_size_execute0_lowered;
	s3 =	sadd.s32 s3, s5;
	[dreg:$0x0] =	wrdreg $0x0  }
0xa8: {  	s5 =	sshll.u32 s28, $0x1;
	[dreg:$0x2] =	wrdreg s3  }
0xa9: {  	[dreg:$0x3] =	wrdreg s5  }
0xaa: {  	[dreg:$0x4] =	wrdreg $0xC0  }
0xab: {  	_ =	task [dreg:s7], $0x5FFFF  }
0xac: {  	[dreg:$0x1] =	wrdreg $0xFFFFFFFF  }
0xad: {  	[dreg:$0x0] =	wrdreg $0x60  }
0xae: {  	[dreg:$0x2] =	wrdreg s24  }
0xaf: {  	[dreg:$0x3] =	wrdreg s2  }
0xb0: {  	[dreg:$0x4] =	wrdreg $0x154000  }
0xb1: {  	[dreg:$0x5] =	wrdreg $0x9  }
0xb2: {  	_ =	task.clear_ibuf [dreg:s7], $0x6FFFF;
	_ =	strace $0x90000049  }
0xb3: {  	s29 =	simm.s32 $0x9;
	_ =	strace $0x8000004B  }
0xb4: {  	_ =	swait.ge [sflag:s29], $0x1  }
0xb5: {  	[sflag:s29] =	ssyncadd.s32 $0xFFFFFFFF  }
0xb6: {  	_ =	strace $0x9000004B  }
0xb7: {  	_ =	sfence  }
0xb8: {  	s30 =	sld [smem:$0x0];
	_ =	sdelay $0x2  }
0xb9: {  	s31 =	sshll.u32 s1, $0xD;
	s1 =	sshrl.u32 s1, $0x2  }
0xba: {  	s3 =	sand.u32 $0x4000, s31;
	s1 =	sadd.s32 s1, s30  }
0xbb: {  	s0 =	sor.u32 s3, s0;
	s1 =	sshll.u32 s1, $0x11  }
0xbc: {  	s0 =	sor.u32 s1, s0  }
0xbd: {  	s0 =	sadd.s32 $0x8F2B, s0  }
0xbe: {  	[sflag:s0] =	ssyncadd.remote.s32 $0x1  }
0xbf: {  	_ =	sfence.sel $0xFFFF  }
0xc0: {  	[dreg:$0x0] =	wrdreg $0xFFFFFFFF;
	(pc) =	sbr.abs _section_cstart, $3  }
0xc1: {  	[dreg:$0x1] =	wrdreg $0xFFFFFFFF  }
0xc2: {  	_ =	task.clear_ibuf [dreg:s7], $0x2FFFF;
	_ =	strace $0x9FFFFFFF  }
0xc3: {  	(tm) =	ssettm $0x7FFFFFFF  }
tec
execute0_lowered:
.L_overlay_start_1:
0x0: {  	(tag) =	ssettag $0x1  }
0x1: {  	s4 =	rddreg [dreg:$0x0]  }
0x2: {  	s5 =	rddreg [dreg:$0x1]  }
0x3: {  	s2 =	rddreg [dreg:$0x2]  }
0x4: {  	s0 =	rddreg [dreg:$0x3];
	s3 =	srdreg.scid  }
0x5: {  	s1 =	stileid.u32;
	s13 =	simm.s32 $0x1;
	s14 =	simm.s32 $0x0  }
0x6: {  	s6 =	sand.u32 $0x1, s3;
	s7 =	sshll.u32 s1, $0x1;
	s8 =	smul.u32 $0x2780, s1  }
0x7: {  	s3 =	simm.s32 $0x0;
	s7 =	sor.u32 s6, s7;
	s9 =	smul.u32 $0x27800, s6  }
0x8: {  	s31 =	sshll.u32 s1, $0x6;
	[smem:$0x7FF] =	sst s3;
	s10 =	smul.u32 $0x2800, s7  }
0x9: {  	s6 =	ssub.s32 $0x2, s6;
	_ =	strace $0x8000004A;
	s7 =	smul.u32 $0x280, s7  }
0xa: {  	s29 =	sshrl.u32 s6, $0x1;
	s30 =	sshrl.u32 s8, $0x3;
	s9 =	sadd.s32 s8, s9  }
0xb: {  	s12 =	sadd.s32 s8, s2;
	s11 =	ssub.s32 s6, s29;
	s9 =	sshrl.u32 s9, $0x3  }
0xc: {  	s10 =	sadd.s32 s10, s4;
	s7 =	sadd.s32 s7, s4;
	s9 =	sadd.s32 s9, s4  }
0xd: {  	s4 =	sadd.s32 s5, s30;
	s5 =	sor.u32 $0x1C02, s31;
	s6 =	sadd.s32 $0x6C00, s7  }
0xe: {  	s7 =	sadd.s32 $0xBC00, s10;
	s10 =	sshrl.u32 s12, $0x3;
	s12 =	simm.s32 $0x80  }
0xf: {  	s8 =	sadd.s32 $0x6AC00, s9;
	s9 =	smax.u32 s11, $0x1;
	s11 =	simm.s32 $0x2  }
.LBB2_1:
0x10: {  	[spmem:s10], [sflag:s5] =	dma.local [hbm:s4], $0x4F0  }
0x11: {  	_ =	swait.ge [sflag:s11], $0x4F0  }
0x12: {  	[sflag:s11] =	ssyncset.done $0x0  }
0x13: {  	[sflag:s11] =	ssyncadd.s32 $0xFFFFFB10  }
0x14: {  	[tilespmem:s3], [sflag:$0x2] =	stream.linear.gather [hbm4b:s6+s3], $0x1400, $0x38;
	[tilespmem:$0x17B80] =	vst v63  }
0x15: {  	_ =	swait.ge [sflag:s11], $0x1400  }
0x16: {  	[sflag:s11] =	ssyncset.done $0x0  }
0x17: {  	s15 =	simm.s32 $0x1400;
	[sflag:s11] =	ssyncadd.s32 $0xFFFFEC00  }
0x18: {  	[tilespmem:s15], [sflag:$0x2] =	stream.linear.gather [hbm4b:s7+s3], $0x14000, $0x38;
	[tilespmem:$0x17B80] =	vst v63  }
0x19: {  	_ =	swait.ge [sflag:s11], $0x14000  }
0x1a: {  	[sflag:s11] =	ssyncset.done $0x0  }
0x1b: {  	[sflag:s11] =	ssyncadd.s32 $0xFFFEC000  }
0x1c: {  	s16 =	simm.s32 $0x0;
	[bflag:$0x0] =	sbarrier.arrive $0xFFFF  }
.LBB2_2:
0x1d: {  	p0 =	sne.s32 s16, $0x4E00  }
.Ltmp0:
0x1e: {  	_ = 	snop;
	(pc) =	sbr.rel @p0 .LBB2_2-.Ltmp0, $4  }
0x1f: {  	_ = 	snop  }
0x20: {  	s17 =	sshra.s32 s16, $0x2  }
0x21: {  	[spmem:s2] =	stream.indirect.scatter.add.f32 [tilespmem:s15], [sflag:$0x1], $0x10, s17, s12, $0xb8;
	[tilespmem:$0x17B80] =	vst v63  }
0x22: {  	s16 =	sadd.s32 $0x200, s16;
	s15 =	sadd.s32 $0x800, s15  }
0x23: {  	_ =	swait.ge [sflag:s13], $0x800  }
0x24: {  	s15 =	simm.s32 $0x27;
	[sflag:s13] =	ssyncset.done $0x0  }
.LBB2_4:
0x25: {  	p0 =	sne.s32 s15, $0x1;
	s15 =	sadd.s32 $0xFFFFFFFF, s15;
	[sflag:s13] =	ssyncadd.s32 $0xFFFFF800  }
.Ltmp1:
0x26: {  	(pc) =	sbr.rel @p0 .LBB2_4-.Ltmp1, $3  }
0x27: {  	_ =	sdelay $0x1  }
0x28: {  	_ =	swait.ge [sflag:s13], $0x800  }
0x29: {  	[sflag:s13] =	ssyncset.done $0x0  }
0x2a: {  	s14 =	sadd.s32 $0x1, s14  }
0x2b: {  	[sflag:s13] =	ssyncadd.s32 $0xFFFFF800;
	p0 =	sne.s32 s14, s9  }
.Ltmp2:
0x2c: {  	[bflag:$0x0] =	sbarrier.arrive $0xFFFF;
	(pc) =	sbr.rel @p0 .LBB2_1-.Ltmp2, $4  }
0x2d: {  	[hbm:s8], [sflag:s5] =	dma.local [spmem:s10], $0x4F0  }
0x2e: {  	_ =	swait.ge [sflag:s11], $0x4F0  }
0x2f: {  	[sflag:s11] =	ssyncset.done $0x0  }
0x30: {  	[sflag:s11] =	ssyncadd.s32 $0xFFFFFB10  }
0x31: {  	_ =	sfence.sel $0x180000  }
0x32: {  	[bflag:$0x0] =	sbarrier.arrive $0xFFFF  }
0x33: {  	p0 =	sne.s32 s1, $0x0;
	_ =	strace $0x9000004A  }
0x34: {  	s0 =	sadd.s32 @!p0 $0x100000, s0;
	[bflag:$0x2] =	sbarrier.arrive $0xFFFF  }
0x35: {  	[sflag:s0] =	ssyncadd.tile.s32 @!p0 $0x1;
	_ =	shalt  }
.Lfunc_end2:
_tile_overlayer_lowered:
.L_overlay_start_2:
0x36: {  	(tag) =	ssettag $0x2  }
0x37: {  	s0 =	rddreg [dreg:$0x0];
	s2 =	stileid.u32  }
0x38: {  	s1 =	rddreg [dreg:$0x1];
	p0 =	sne.s32 s2, $0x0  }
0x39: {  	s3 =	rddreg [dreg:$0x2];
	[bflag:$0x3] =	sbarrier.arrive $0xFFFF;
	s2 =	simm.s32 @!p0 $0x1C02  }
0x3a: {  	[timem:s3], [sflag:s2] =	dma.local @!p0 [hbm:s0], s1  }
0x3b: {  	s0 =	simm.s32 @!p0 $0x2  }
0x3c: {  	_ =	swait.ge @!p0 [sflag:s0], s1  }
0x3d: {  	s1 =	ssub.s32 @!p0 $0x0, s1;
	[sflag:s0] =	ssyncset.done @!p0 $0x0  }
0x3e: {  	[sflag:s0] =	ssyncadd.s32 @!p0 s1  }
0x3f: {  	[bflag:$0x3] =	sbarrier.arrive $0xFFFF  }
0x40: {  	_ =	shalt  }

</sc_bundles>
